<compile_context>
chip_gen: v7x
topology: tpu7x:2x2x1
jax: 0.10.2.dev20260603
libtpu: 0.0.44.dev20260713+nightly
codegen_flags: <defaults>
</compile_context>

<pallas_src>
import functools

import jax
import jax.numpy as jnp
from jax import lax
from jax.experimental import pallas as pl
from jax.experimental.pallas import tpu as pltpu
from jax.experimental.pallas import tpu_sc as plsc

NC = 2
NS = 16
NW = NC * NS
EW = 128


def _make_sc_segment_sum(n, d, k, n_pad):
  mesh = plsc.VectorSubcoreMesh(core_axis_name="c", subcore_axis_name="s")
  rpt = (-(-n // NS) + 7) // 8 * 8
  rpt_last = n - (NS - 1) * rpt

  nbuf = 2
  iw = 40

  @functools.partial(
      pl.kernel,
      out_type=jax.ShapeDtypeStruct((2 * n, d), jnp.float32),
      mesh=mesh,
      scratch_types=(
          [pltpu.VMEM((iw, EW), jnp.int32),
           pltpu.VMEM((iw, EW), jnp.int32)]
          + [pltpu.VMEM((EW, d), jnp.float32) for _ in range(nbuf)]
          + [pltpu.VMEM_SHARED((n_pad, d), jnp.float32)]
          + [pltpu.SemaphoreType.DMA for _ in range(2 * nbuf + 1)]
      ),
  )
  def seg_sum(x_hbm, ei_hbm, out_hbm, src_v, dst_v,
              r0, r1, acc_sh, g0, g1, s0, s1, seedsem):
    rows = (r0, r1)
    gsem = (g0, g1)
    ssem = (s0, s1)
    c = lax.axis_index("c")
    s = lax.axis_index("s")
    w = c * NS + s
    base = s * rpt

    @pl.when(s < NS - 1)
    def _():
      pltpu.async_copy(x_hbm.at[pl.ds(base, rpt)],
                       acc_sh.at[pl.ds(base, rpt)], seedsem)

    @pl.when(s == NS - 1)
    def _():
      pltpu.async_copy(x_hbm.at[pl.ds(base, rpt_last)],
                       acc_sh.at[pl.ds(base, rpt_last)], seedsem)

    pltpu.sync_copy(ei_hbm.at[0, w, pl.ds(0, iw)], src_v)
    pltpu.sync_copy(ei_hbm.at[1, w, pl.ds(0, iw)], dst_v)
    for b in range(nbuf):
      pltpu.async_copy(x_hbm.at[src_v.at[b]], rows[b], gsem[b])

    @pl.when(s < NS - 1)
    def _():
      pltpu.make_async_copy(x_hbm.at[pl.ds(base, rpt)],
                            acc_sh.at[pl.ds(base, rpt)], seedsem).wait()

    @pl.when(s == NS - 1)
    def _():
      pltpu.make_async_copy(x_hbm.at[pl.ds(base, rpt_last)],
                            acc_sh.at[pl.ds(base, rpt_last)], seedsem).wait()

    plsc.subcore_barrier()

    @pl.loop(0, k // iw)
    def _(wi):
      @pl.when(wi > 0)
      def _():
        pltpu.sync_copy(ei_hbm.at[0, w, pl.ds(wi * iw, iw)], src_v)
        pltpu.sync_copy(ei_hbm.at[1, w, pl.ds(wi * iw, iw)], dst_v)
        for b in range(nbuf):
          pltpu.async_copy(x_hbm.at[src_v.at[b]], rows[b], gsem[b])

      @pl.loop(0, iw // nbuf)
      def _(i):
        j0 = i * nbuf
        for b in range(nbuf):
          pltpu.make_async_copy(x_hbm.at[src_v.at[j0 + b]], rows[b],
                                gsem[b]).wait()
          pltpu.async_copy(rows[b], acc_sh.at[dst_v.at[j0 + b]], ssem[b],
                           add=True)
        for b in range(nbuf):
          pltpu.make_async_copy(rows[b], acc_sh.at[dst_v.at[j0 + b]],
                                ssem[b]).wait()

          @pl.when(j0 + b + nbuf < iw)
          def _():
            pltpu.async_copy(x_hbm.at[src_v.at[j0 + b + nbuf]], rows[b],
                             gsem[b])

    plsc.subcore_barrier()

    @pl.when(s < NS - 1)
    def _():
      pltpu.sync_copy(acc_sh.at[pl.ds(base, rpt)],
                      out_hbm.at[pl.ds(c * n + base, rpt)])

    @pl.when(s == NS - 1)
    def _():
      pltpu.sync_copy(acc_sh.at[pl.ds(base, rpt_last)],
                      out_hbm.at[pl.ds(c * n + base, rpt_last)])

  return seg_sum


def _dot(a, b):
  return lax.dot_general(a, b, (((1,), (0,)), ((), ())),
                         precision=jax.lax.Precision.DEFAULT,
                         preferred_element_type=jnp.float32)


def _mlp_stack(u, w0, b0, w1, b1, w2, b2):
  h = jnp.tanh(_dot(u, w0) + b0)
  h = jnp.tanh(_dot(h, w1) + b1)
  h = jnp.tanh(_dot(h, w2) + b2)
  return jnp.tanh(h)


def _make_mlp(n, d, h, r):
  grid = n // r

  def body(p0_ref, p1_ref, x_ref, w0_ref, b0_ref, w1_ref, b1_ref, w2_ref,
           b2_ref, o_ref):
    u = p0_ref[...] + p1_ref[...] - x_ref[...]
    o_ref[...] = _mlp_stack(u, w0_ref[...], b0_ref[...], w1_ref[...],
                            b1_ref[...], w2_ref[...], b2_ref[...])

  row_spec = pl.BlockSpec((r, d), lambda i: (i, 0))
  return pl.pallas_call(
      body,
      grid=(grid,),
      in_specs=[
          row_spec, pl.BlockSpec((r, d), lambda i: (i + grid, 0)), row_spec,
          pl.BlockSpec((d, h), lambda i: (0, 0)),
          pl.BlockSpec((1, h), lambda i: (0, 0)),
          pl.BlockSpec((h, h), lambda i: (0, 0)),
          pl.BlockSpec((1, h), lambda i: (0, 0)),
          pl.BlockSpec((h, d), lambda i: (0, 0)),
          pl.BlockSpec((1, d), lambda i: (0, 0)),
      ],
      out_specs=row_spec,
      out_shape=jax.ShapeDtypeStruct((n, d), jnp.float32),
  )


def _make_mlp_readout(n, d, h, r, g):
  grid = n // r

  def body(p0_ref, p1_ref, x_ref, w0_ref, b0_ref, w1_ref, b1_ref, w2_ref,
           b2_ref, batch_ref, o_ref, sums_ref, counts_ref):
    i = pl.program_id(0)

    @pl.when(i == 0)
    def _():
      sums_ref[...] = jnp.zeros_like(sums_ref)
      counts_ref[...] = jnp.zeros_like(counts_ref)

    u = p0_ref[...] + p1_ref[...] - x_ref[...]
    xn = _mlp_stack(u, w0_ref[...], b0_ref[...], w1_ref[...], b1_ref[...],
                    w2_ref[...], b2_ref[...])
    gids = lax.broadcasted_iota(jnp.int32, (g, r), 0)
    onehot = (gids == batch_ref[0]).astype(jnp.float32)
    sums_ref[...] += lax.dot_general(
        onehot, xn, (((1,), (0,)), ((), ())),
        precision=jax.lax.Precision.HIGHEST,
        preferred_element_type=jnp.float32)
    cnt = jnp.sum(onehot, axis=1, keepdims=True)
    counts_ref[...] += jnp.broadcast_to(cnt, (g, d))

    @pl.when(i == grid - 1)
    def _():
      o_ref[...] = sums_ref[...] / jnp.maximum(counts_ref[...], 1.0)

  row_spec = pl.BlockSpec((r, d), lambda i: (i, 0))
  return pl.pallas_call(
      body,
      grid=(grid,),
      in_specs=[
          row_spec, pl.BlockSpec((r, d), lambda i: (i + grid, 0)), row_spec,
          pl.BlockSpec((d, h), lambda i: (0, 0)),
          pl.BlockSpec((1, h), lambda i: (0, 0)),
          pl.BlockSpec((h, h), lambda i: (0, 0)),
          pl.BlockSpec((1, h), lambda i: (0, 0)),
          pl.BlockSpec((h, d), lambda i: (0, 0)),
          pl.BlockSpec((1, d), lambda i: (0, 0)),
          pl.BlockSpec((1, 1, r), lambda i: (i, 0, 0)),
      ],
      out_specs=pl.BlockSpec((g, d), lambda i: (0, 0)),
      out_shape=jax.ShapeDtypeStruct((g, d), jnp.float32),
      scratch_shapes=[
          pltpu.VMEM((g, d), jnp.float32),
          pltpu.VMEM((g, d), jnp.float32),
      ],
  )


def kernel(attrs, edge_index, batch,
           W0_0, b0_0, W0_1, b0_1, W0_2, b0_2,
           W1_0, b1_0, W1_1, b1_1, W1_2, b1_2):
  n, d = attrs.shape
  e = edge_index.shape[1]
  h = W0_0.shape[1]
  g = 64
  r = 2000
  k = -(-e // (NW * EW))
  k = -(-k // 40) * 40
  e_pad = NW * k * EW
  n_pad = n + EW

  pad = e_pad - e
  pad_iota = jnp.arange(pad, dtype=jnp.int32) % EW
  ei4d = jnp.concatenate(
      [edge_index, jnp.stack([pad_iota, n + pad_iota])], axis=1
  ).reshape(2, NW, k, EW)
  batch3d = batch.reshape(n // r, 1, r)
  b0s = (b0_0.reshape(1, h), b0_1.reshape(1, h), b0_2.reshape(1, d))
  b1s = (b1_0.reshape(1, h), b1_1.reshape(1, h), b1_2.reshape(1, d))

  seg_sum = _make_sc_segment_sum(n, d, k, n_pad)
  mlp = _make_mlp(n, d, h, r)
  mlp_readout = _make_mlp_readout(n, d, h, r, g)

  p = seg_sum(attrs, ei4d)
  x1 = mlp(p, p, attrs, W0_0, b0s[0], W0_1, b0s[1], W0_2, b0s[2])
  q = seg_sum(x1, ei4d)
  out = mlp_readout(q, q, x1, W1_0, b1s[0], W1_1, b1s[1],
                    W1_2, b1s[2], batch3d)
  return out

# --- scband reference (transcript-rebuilt; emitter-appended) ---
"""Pipeline reference for scband-gnn-137438954176 (READ-ONLY COPY).

The authoritative reference and input builder live on the scoring server;
editing this copy changes nothing except your own understanding.
"""

import jax, jax.numpy as jnp
import numpy as np

N = 10000   # nodes
E = 320000  # edges
D = 128     # attrs_dim
H = 256     # hidden = 2*attrs_dim
G = 64      # number of graphs in batch
L = 2       # gnn_layers_num


def _linear_init(key, fan_in, fan_out):
    bound = 1.0 / np.sqrt(fan_in)
    kw, kb = jax.random.split(key)
    W = jax.random.uniform(kw, (fan_in, fan_out), jnp.float32, -bound, bound)
    b = jax.random.uniform(kb, (fan_out,), jnp.float32, -bound, bound)
    return W, b


def setup_inputs(seed: int = 0) -> dict:
    key = jax.random.key(seed)
    ks = jax.random.split(key, 16)
    inp = {}
    inp["attrs"] = jax.random.normal(ks[0], (N, D), dtype=jnp.float32)
    inp["edge_index"] = jax.random.randint(ks[1], (2, E), 0, N, dtype=jnp.int32)
    inp["batch"] = jnp.sort(jax.random.randint(ks[2], (N,), 0, G, dtype=jnp.int32))
    # GIN MLP per layer: Linear(D->H), Linear(H->H), Linear(H->D), tanh after each
    dims = [(D, H), (H, H), (H, D)]
    kidx = 3
    for l in range(L):
        for i, (fi, fo) in enumerate(dims):
            W, b = _linear_init(ks[kidx], fi, fo)
            kidx += 1
            inp[f"W{l}_{i}"] = W
            inp[f"b{l}_{i}"] = b
    return inp


def reference(attrs, edge_index, batch,
              W0_0, b0_0, W0_1, b0_1, W0_2, b0_2,
              W1_0, b1_0, W1_1, b1_1, W1_2, b1_2):
    src = edge_index[0]
    dst = edge_index[1]
    layer_params = [
        ((W0_0, b0_0), (W0_1, b0_1), (W0_2, b0_2)),
        ((W1_0, b1_0), (W1_1, b1_1), (W1_2, b1_2)),
    ]
    x = attrs.astype(jnp.float32)
    for lp in layer_params:
        # GINConv: h_i = MLP((1 + eps) * x_i + sum_{j in N(i)} x_j), eps = 0
        msgs = x[src]
        agg = jax.ops.segment_sum(msgs, dst, num_segments=N)
        h = x + agg
        for (W, b) in lp:
            h = jnp.tanh(h @ W + b)
        # outer activation (Tanh) after each GNN layer
        x = jnp.tanh(h)
    # scatter_mean over batch assignments (graph readout)
    sums = jax.ops.segment_sum(x, batch, num_segments=G)
    counts = jax.ops.segment_sum(jnp.ones((N, 1), jnp.float32), batch, num_segments=G)
    out = sums / jnp.maximum(counts, 1.0)
    return out

if __name__ == "__main__":
    import jax
    _d = setup_inputs()
    print(jax.jit(kernel)(*tuple(_d.values())))

</pallas_src>

<mosaic_0001>
#map = affine_map<(d0, d1) -> (0, 0)>
#map1 = affine_map<(d0, d1) -> (0, 0, 0, 0)>
module attributes {stable_mosaic.version = 14 : i64} {
  func.func @seg_sum(%arg0: i32, %arg1: i32, %arg2: memref<10000x128xf32, #tpu.memory_space<hbm>>, %arg3: memref<2x32x80x128xi32, #tpu.memory_space<hbm>>, %arg4: memref<20000x128xf32, #tpu.memory_space<hbm>>, %arg5: memref<40x128xi32, #tpu.memory_space<vmem>>, %arg6: memref<40x128xi32, #tpu.memory_space<vmem>>, %arg7: memref<128x128xf32, #tpu.memory_space<vmem>>, %arg8: memref<128x128xf32, #tpu.memory_space<vmem>>, %arg9: memref<10128x128xf32, #tpu.memory_space<vmem_shared>>, %arg10: memref<!tpu.dma_semaphore, #tpu.memory_space<semaphore_mem>>, %arg11: memref<!tpu.dma_semaphore, #tpu.memory_space<semaphore_mem>>, %arg12: memref<!tpu.dma_semaphore, #tpu.memory_space<semaphore_mem>>, %arg13: memref<!tpu.dma_semaphore, #tpu.memory_space<semaphore_mem>>, %arg14: memref<!tpu.dma_semaphore, #tpu.memory_space<semaphore_mem>>) attributes {dimension_semantics = [#tpu.dimension_semantics<core_parallel>, #tpu.dimension_semantics<subcore_parallel>], iteration_bounds = array<i64: 2, 16>, scalar_prefetch = 0 : i64, scratch_operands = 10 : i64, tpu.core_type = #tpu.core_type<sc_vector_subcore>, window_params = [{transform_indices = #map}, {transform_indices = #map1}, {transform_indices = #map}]} {
    %mul3A = arith.constant 16 : i32
    %mul3A_0 = arith.muli %arg0, %mul3A : i32
    %add3A = arith.addi %mul3A_0, %arg1 : i32
    %mul3A_1 = arith.constant 632 : i32
    %mul3A_2 = arith.muli %arg1, %mul3A_1 : i32
    %lt3A = arith.constant 15 : i32
    %lt3A_3 = arith.cmpi slt, %arg1, %lt3A : i32
    %convert_element_type3A = arith.extui %lt3A_3 : i1 to i32
    %cond3A = arith.constant 0 : i32
    %cond3A_4 = arith.cmpi ne, %convert_element_type3A, %cond3A : i32
    scf.if %cond3A_4 {
      %dma_start3A_48 = arith.constant 0 : i32
      %dma_start3A_49 = tpu.memref_slice %arg9[%mul3A_2, %dma_start3A_48] : memref<10128x128xf32, #tpu.memory_space<vmem_shared>> -> memref<632x128xf32, #tpu.memory_space<vmem_shared>>
      %dma_start3A_50 = arith.constant 0 : i32
      %dma_start3A_51 = tpu.memref_slice %arg2[%mul3A_2, %dma_start3A_50] : memref<10000x128xf32, #tpu.memory_space<hbm>> -> memref<632x128xf32, #tpu.memory_space<hbm>>
      tpu.enqueue_dma source(%dma_start3A_51 : memref<632x128xf32, #tpu.memory_space<hbm>>) target(%dma_start3A_49 : memref<632x128xf32, #tpu.memory_space<vmem_shared>>) target_semaphore(%arg14 : memref<!tpu.dma_semaphore, #tpu.memory_space<semaphore_mem>>)
    } else {
    }
    %eq3A = arith.constant 15 : i32
    %eq3A_5 = arith.cmpi eq, %arg1, %eq3A : i32
    %convert_element_type3A_6 = arith.extui %eq3A_5 : i1 to i32
    %cond3A_7 = arith.constant 0 : i32
    %cond3A_8 = arith.cmpi ne, %convert_element_type3A_6, %cond3A_7 : i32
    scf.if %cond3A_8 {
      %dma_start3A_48 = arith.constant 0 : i32
      %dma_start3A_49 = tpu.memref_slice %arg9[%mul3A_2, %dma_start3A_48] : memref<10128x128xf32, #tpu.memory_space<vmem_shared>> -> memref<520x128xf32, #tpu.memory_space<vmem_shared>>
      %dma_start3A_50 = arith.constant 0 : i32
      %dma_start3A_51 = tpu.memref_slice %arg2[%mul3A_2, %dma_start3A_50] : memref<10000x128xf32, #tpu.memory_space<hbm>> -> memref<520x128xf32, #tpu.memory_space<hbm>>
      tpu.enqueue_dma source(%dma_start3A_51 : memref<520x128xf32, #tpu.memory_space<hbm>>) target(%dma_start3A_49 : memref<520x128xf32, #tpu.memory_space<vmem_shared>>) target_semaphore(%arg14 : memref<!tpu.dma_semaphore, #tpu.memory_space<semaphore_mem>>)
    } else {
    }
    %run_scoped3A = arith.constant 0 : i32
    "tpu.region"() ({
      %run_scoped3A_48 = tpu.sem_alloc : memref<!tpu.dma_semaphore, #tpu.memory_space<semaphore_mem>>
      %dma_start3A_49 = arith.constant 0 : i32
      %dma_start3A_50 = arith.constant 0 : i32
      %dma_start3A_51 = tpu.memref_slice %arg3[%run_scoped3A, %add3A, %dma_start3A_49, %dma_start3A_50] : memref<2x32x80x128xi32, #tpu.memory_space<hbm>> -> memref<1x1x40x128xi32, #tpu.memory_space<hbm>>
      %dma_start3A_52 = tpu.memref_squeeze %dma_start3A_51 : memref<1x1x40x128xi32, #tpu.memory_space<hbm>> -> memref<40x128xi32, #tpu.memory_space<hbm>>
      %dma_start3A_53 = arith.constant 0 : i32
      %dma_start3A_54 = arith.constant 0 : i32
      %dma_start3A_55 = tpu.memref_slice %arg3[%run_scoped3A, %add3A, %dma_start3A_53, %dma_start3A_54] : memref<2x32x80x128xi32, #tpu.memory_space<hbm>> -> memref<1x1x40x128xi32, #tpu.memory_space<hbm>>
      %dma_start3A_56 = tpu.memref_squeeze %dma_start3A_55 : memref<1x1x40x128xi32, #tpu.memory_space<hbm>> -> memref<40x128xi32, #tpu.memory_space<hbm>>
      tpu.enqueue_dma source(%dma_start3A_56 : memref<40x128xi32, #tpu.memory_space<hbm>>) target(%arg5 : memref<40x128xi32, #tpu.memory_space<vmem>>) target_semaphore(%run_scoped3A_48 : memref<!tpu.dma_semaphore, #tpu.memory_space<semaphore_mem>>)
      %dma_wait3A = arith.constant 0 : i32
      %dma_wait3A_57 = arith.constant 0 : i32
      %dma_wait3A_58 = tpu.memref_slice %arg3[%run_scoped3A, %add3A, %dma_wait3A, %dma_wait3A_57] : memref<2x32x80x128xi32, #tpu.memory_space<hbm>> -> memref<1x1x40x128xi32, #tpu.memory_space<hbm>>
      %dma_wait3A_59 = tpu.memref_squeeze %dma_wait3A_58 : memref<1x1x40x128xi32, #tpu.memory_space<hbm>> -> memref<40x128xi32, #tpu.memory_space<hbm>>
      %dma_wait3A_60 = arith.constant 0 : i32
      %dma_wait3A_61 = arith.constant 0 : i32
      %dma_wait3A_62 = tpu.memref_slice %arg3[%run_scoped3A, %add3A, %dma_wait3A_60, %dma_wait3A_61] : memref<2x32x80x128xi32, #tpu.memory_space<hbm>> -> memref<1x1x40x128xi32, #tpu.memory_space<hbm>>
      %dma_wait3A_63 = tpu.memref_squeeze %dma_wait3A_62 : memref<1x1x40x128xi32, #tpu.memory_space<hbm>> -> memref<40x128xi32, #tpu.memory_space<hbm>>
      tpu.wait_dma2 semaphore(%run_scoped3A_48 : memref<!tpu.dma_semaphore, #tpu.memory_space<semaphore_mem>>) src(%dma_wait3A_63 : memref<40x128xi32, #tpu.memory_space<hbm>>) dst(%arg5 : memref<40x128xi32, #tpu.memory_space<vmem>>)
      tpu.yield
    }) : () -> ()
    %run_scoped3A_9 = arith.constant 1 : i32
    "tpu.region"() ({
      %run_scoped3A_48 = tpu.sem_alloc : memref<!tpu.dma_semaphore, #tpu.memory_space<semaphore_mem>>
      %dma_start3A_49 = arith.constant 0 : i32
      %dma_start3A_50 = arith.constant 0 : i32
      %dma_start3A_51 = tpu.memref_slice %arg3[%run_scoped3A_9, %add3A, %dma_start3A_49, %dma_start3A_50] : memref<2x32x80x128xi32, #tpu.memory_space<hbm>> -> memref<1x1x40x128xi32, #tpu.memory_space<hbm>>
      %dma_start3A_52 = tpu.memref_squeeze %dma_start3A_51 : memref<1x1x40x128xi32, #tpu.memory_space<hbm>> -> memref<40x128xi32, #tpu.memory_space<hbm>>
      %dma_start3A_53 = arith.constant 0 : i32
      %dma_start3A_54 = arith.constant 0 : i32
      %dma_start3A_55 = tpu.memref_slice %arg3[%run_scoped3A_9, %add3A, %dma_start3A_53, %dma_start3A_54] : memref<2x32x80x128xi32, #tpu.memory_space<hbm>> -> memref<1x1x40x128xi32, #tpu.memory_space<hbm>>
      %dma_start3A_56 = tpu.memref_squeeze %dma_start3A_55 : memref<1x1x40x128xi32, #tpu.memory_space<hbm>> -> memref<40x128xi32, #tpu.memory_space<hbm>>
      tpu.enqueue_dma source(%dma_start3A_56 : memref<40x128xi32, #tpu.memory_space<hbm>>) target(%arg6 : memref<40x128xi32, #tpu.memory_space<vmem>>) target_semaphore(%run_scoped3A_48 : memref<!tpu.dma_semaphore, #tpu.memory_space<semaphore_mem>>)
      %dma_wait3A = arith.constant 0 : i32
      %dma_wait3A_57 = arith.constant 0 : i32
      %dma_wait3A_58 = tpu.memref_slice %arg3[%run_scoped3A_9, %add3A, %dma_wait3A, %dma_wait3A_57] : memref<2x32x80x128xi32, #tpu.memory_space<hbm>> -> memref<1x1x40x128xi32, #tpu.memory_space<hbm>>
      %dma_wait3A_59 = tpu.memref_squeeze %dma_wait3A_58 : memref<1x1x40x128xi32, #tpu.memory_space<hbm>> -> memref<40x128xi32, #tpu.memory_space<hbm>>
      %dma_wait3A_60 = arith.constant 0 : i32
      %dma_wait3A_61 = arith.constant 0 : i32
      %dma_wait3A_62 = tpu.memref_slice %arg3[%run_scoped3A_9, %add3A, %dma_wait3A_60, %dma_wait3A_61] : memref<2x32x80x128xi32, #tpu.memory_space<hbm>> -> memref<1x1x40x128xi32, #tpu.memory_space<hbm>>
      %dma_wait3A_63 = tpu.memref_squeeze %dma_wait3A_62 : memref<1x1x40x128xi32, #tpu.memory_space<hbm>> -> memref<40x128xi32, #tpu.memory_space<hbm>>
      tpu.wait_dma2 semaphore(%run_scoped3A_48 : memref<!tpu.dma_semaphore, #tpu.memory_space<semaphore_mem>>) src(%dma_wait3A_63 : memref<40x128xi32, #tpu.memory_space<hbm>>) dst(%arg6 : memref<40x128xi32, #tpu.memory_space<vmem>>)
      tpu.yield
    }) : () -> ()
    %dma_start3A = arith.constant 0 : i32
    %dma_start3A_10 = arith.constant 0 : i32
    %dma_start3A_11 = tpu.memref_slice %arg5[%dma_start3A, %dma_start3A_10] : memref<40x128xi32, #tpu.memory_space<vmem>> -> memref<1x128xi32, #tpu.memory_space<vmem>>
    %dma_start3A_12 = tpu.memref_squeeze %dma_start3A_11 : memref<1x128xi32, #tpu.memory_space<vmem>> -> memref<128xi32, #tpu.memory_space<vmem>>
    %dma_start3A_13 = arith.constant 0 : i32
    %dma_start3A_14 = arith.constant 0 : i32
    %dma_start3A_15 = tpu.memref_slice %arg2[%dma_start3A_13, %dma_start3A_14] : memref<10000x128xf32, #tpu.memory_space<hbm>> -> memref<10000x128xf32, #tpu.memory_space<hbm>>
    tpu.enqueue_indirect_dma source(%dma_start3A_15 : memref<10000x128xf32, #tpu.memory_space<hbm>>) target(%arg7 : memref<128x128xf32, #tpu.memory_space<vmem>>) offsets(%dma_start3A_12 : memref<128xi32, #tpu.memory_space<vmem>>) semaphore(%arg10 : memref<!tpu.dma_semaphore, #tpu.memory_space<semaphore_mem>>)
    %dma_start3A_16 = arith.constant 1 : i32
    %dma_start3A_17 = arith.constant 0 : i32
    %dma_start3A_18 = tpu.memref_slice %arg5[%dma_start3A_16, %dma_start3A_17] : memref<40x128xi32, #tpu.memory_space<vmem>> -> memref<1x128xi32, #tpu.memory_space<vmem>>
    %dma_start3A_19 = tpu.memref_squeeze %dma_start3A_18 : memref<1x128xi32, #tpu.memory_space<vmem>> -> memref<128xi32, #tpu.memory_space<vmem>>
    %dma_start3A_20 = arith.constant 0 : i32
    %dma_start3A_21 = arith.constant 0 : i32
    %dma_start3A_22 = tpu.memref_slice %arg2[%dma_start3A_20, %dma_start3A_21] : memref<10000x128xf32, #tpu.memory_space<hbm>> -> memref<10000x128xf32, #tpu.memory_space<hbm>>
    tpu.enqueue_indirect_dma source(%dma_start3A_22 : memref<10000x128xf32, #tpu.memory_space<hbm>>) target(%arg8 : memref<128x128xf32, #tpu.memory_space<vmem>>) offsets(%dma_start3A_19 : memref<128xi32, #tpu.memory_space<vmem>>) semaphore(%arg11 : memref<!tpu.dma_semaphore, #tpu.memory_space<semaphore_mem>>)
    %lt3A_23 = arith.constant 15 : i32
    %lt3A_24 = arith.cmpi slt, %arg1, %lt3A_23 : i32
    %convert_element_type3A_25 = arith.extui %lt3A_24 : i1 to i32
    %cond3A_26 = arith.constant 0 : i32
    %cond3A_27 = arith.cmpi ne, %convert_element_type3A_25, %cond3A_26 : i32
    scf.if %cond3A_27 {
      %dma_wait3A = arith.constant 0 : i32
      %dma_wait3A_48 = tpu.memref_slice %arg9[%mul3A_2, %dma_wait3A] : memref<10128x128xf32, #tpu.memory_space<vmem_shared>> -> memref<632x128xf32, #tpu.memory_space<vmem_shared>>
      %dma_wait3A_49 = arith.constant 0 : i32
      %dma_wait3A_50 = tpu.memref_slice %arg2[%mul3A_2, %dma_wait3A_49] : memref<10000x128xf32, #tpu.memory_space<hbm>> -> memref<632x128xf32, #tpu.memory_space<hbm>>
      tpu.wait_dma2 semaphore(%arg14 : memref<!tpu.dma_semaphore, #tpu.memory_space<semaphore_mem>>) src(%dma_wait3A_50 : memref<632x128xf32, #tpu.memory_space<hbm>>) dst(%dma_wait3A_48 : memref<632x128xf32, #tpu.memory_space<vmem_shared>>)
    } else {
    }
    %eq3A_28 = arith.constant 15 : i32
    %eq3A_29 = arith.cmpi eq, %arg1, %eq3A_28 : i32
    %convert_element_type3A_30 = arith.extui %eq3A_29 : i1 to i32
    %cond3A_31 = arith.constant 0 : i32
    %cond3A_32 = arith.cmpi ne, %convert_element_type3A_30, %cond3A_31 : i32
    scf.if %cond3A_32 {
      %dma_wait3A = arith.constant 0 : i32
      %dma_wait3A_48 = tpu.memref_slice %arg9[%mul3A_2, %dma_wait3A] : memref<10128x128xf32, #tpu.memory_space<vmem_shared>> -> memref<520x128xf32, #tpu.memory_space<vmem_shared>>
      %dma_wait3A_49 = arith.constant 0 : i32
      %dma_wait3A_50 = tpu.memref_slice %arg2[%mul3A_2, %dma_wait3A_49] : memref<10000x128xf32, #tpu.memory_space<hbm>> -> memref<520x128xf32, #tpu.memory_space<hbm>>
      tpu.wait_dma2 semaphore(%arg14 : memref<!tpu.dma_semaphore, #tpu.memory_space<semaphore_mem>>) src(%dma_wait3A_50 : memref<520x128xf32, #tpu.memory_space<hbm>>) dst(%dma_wait3A_48 : memref<520x128xf32, #tpu.memory_space<vmem_shared>>)
    } else {
    }
    %barrier3A = arith.constant 0 : index
    tpu.barrier barrier_id(%barrier3A)
    %scan3A = arith.constant 0 : i32
    %scan3A_33 = arith.constant 2 : i32
    %scan3A_34 = arith.addi %scan3A, %scan3A_33 : i32
    %scan3A_35 = arith.constant 1 : i32
    scf.for %scan3A_48 = %scan3A to %scan3A_34 step %scan3A_35  : i32 {
      %mul3A_49 = arith.constant 1 : i32
      %mul3A_50 = arith.muli %scan3A_48, %mul3A_49 : i32
      %add3A_51 = arith.constant 0 : i32
      %add3A_52 = arith.addi %add3A_51, %mul3A_50 : i32
      %gt3A = arith.constant 0 : i32
      %gt3A_53 = arith.cmpi sgt, %add3A_52, %gt3A : i32
      %convert_element_type3A_54 = arith.extui %gt3A_53 : i1 to i32
      %cond3A_55 = arith.constant 0 : i32
      %cond3A_56 = arith.cmpi ne, %convert_element_type3A_54, %cond3A_55 : i32
      scf.if %cond3A_56 {
        %mul3A_62 = arith.constant 40 : i32
        %mul3A_63 = arith.muli %add3A_52, %mul3A_62 : i32
        %run_scoped3A_64 = arith.constant 0 : i32
        "tpu.region"() ({
          %run_scoped3A_82 = tpu.sem_alloc : memref<!tpu.dma_semaphore, #tpu.memory_space<semaphore_mem>>
          %dma_start3A_83 = arith.constant 0 : i32
          %dma_start3A_84 = tpu.memref_slice %arg3[%run_scoped3A_64, %add3A, %mul3A_63, %dma_start3A_83] : memref<2x32x80x128xi32, #tpu.memory_space<hbm>> -> memref<1x1x40x128xi32, #tpu.memory_space<hbm>>
          %dma_start3A_85 = tpu.memref_squeeze %dma_start3A_84 : memref<1x1x40x128xi32, #tpu.memory_space<hbm>> -> memref<40x128xi32, #tpu.memory_space<hbm>>
          %dma_start3A_86 = arith.constant 0 : i32
          %dma_start3A_87 = tpu.memref_slice %arg3[%run_scoped3A_64, %add3A, %mul3A_63, %dma_start3A_86] : memref<2x32x80x128xi32, #tpu.memory_space<hbm>> -> memref<1x1x40x128xi32, #tpu.memory_space<hbm>>
          %dma_start3A_88 = tpu.memref_squeeze %dma_start3A_87 : memref<1x1x40x128xi32, #tpu.memory_space<hbm>> -> memref<40x128xi32, #tpu.memory_space<hbm>>
          tpu.enqueue_dma source(%dma_start3A_88 : memref<40x128xi32, #tpu.memory_space<hbm>>) target(%arg5 : memref<40x128xi32, #tpu.memory_space<vmem>>) target_semaphore(%run_scoped3A_82 : memref<!tpu.dma_semaphore, #tpu.memory_space<semaphore_mem>>)
          %dma_wait3A = arith.constant 0 : i32
          %dma_wait3A_89 = tpu.memref_slice %arg3[%run_scoped3A_64, %add3A, %mul3A_63, %dma_wait3A] : memref<2x32x80x128xi32, #tpu.memory_space<hbm>> -> memref<1x1x40x128xi32, #tpu.memory_space<hbm>>
          %dma_wait3A_90 = tpu.memref_squeeze %dma_wait3A_89 : memref<1x1x40x128xi32, #tpu.memory_space<hbm>> -> memref<40x128xi32, #tpu.memory_space<hbm>>
          %dma_wait3A_91 = arith.constant 0 : i32
          %dma_wait3A_92 = tpu.memref_slice %arg3[%run_scoped3A_64, %add3A, %mul3A_63, %dma_wait3A_91] : memref<2x32x80x128xi32, #tpu.memory_space<hbm>> -> memref<1x1x40x128xi32, #tpu.memory_space<hbm>>
          %dma_wait3A_93 = tpu.memref_squeeze %dma_wait3A_92 : memref<1x1x40x128xi32, #tpu.memory_space<hbm>> -> memref<40x128xi32, #tpu.memory_space<hbm>>
          tpu.wait_dma2 semaphore(%run_scoped3A_82 : memref<!tpu.dma_semaphore, #tpu.memory_space<semaphore_mem>>) src(%dma_wait3A_93 : memref<40x128xi32, #tpu.memory_space<hbm>>) dst(%arg5 : memref<40x128xi32, #tpu.memory_space<vmem>>)
          tpu.yield
        }) : () -> ()
        %mul3A_65 = arith.constant 40 : i32
        %mul3A_66 = arith.muli %add3A_52, %mul3A_65 : i32
        %run_scoped3A_67 = arith.constant 1 : i32
        "tpu.region"() ({
          %run_scoped3A_82 = tpu.sem_alloc : memref<!tpu.dma_semaphore, #tpu.memory_space<semaphore_mem>>
          %dma_start3A_83 = arith.constant 0 : i32
          %dma_start3A_84 = tpu.memref_slice %arg3[%run_scoped3A_67, %add3A, %mul3A_66, %dma_start3A_83] : memref<2x32x80x128xi32, #tpu.memory_space<hbm>> -> memref<1x1x40x128xi32, #tpu.memory_space<hbm>>
          %dma_start3A_85 = tpu.memref_squeeze %dma_start3A_84 : memref<1x1x40x128xi32, #tpu.memory_space<hbm>> -> memref<40x128xi32, #tpu.memory_space<hbm>>
          %dma_start3A_86 = arith.constant 0 : i32
          %dma_start3A_87 = tpu.memref_slice %arg3[%run_scoped3A_67, %add3A, %mul3A_66, %dma_start3A_86] : memref<2x32x80x128xi32, #tpu.memory_space<hbm>> -> memref<1x1x40x128xi32, #tpu.memory_space<hbm>>
          %dma_start3A_88 = tpu.memref_squeeze %dma_start3A_87 : memref<1x1x40x128xi32, #tpu.memory_space<hbm>> -> memref<40x128xi32, #tpu.memory_space<hbm>>
          tpu.enqueue_dma source(%dma_start3A_88 : memref<40x128xi32, #tpu.memory_space<hbm>>) target(%arg6 : memref<40x128xi32, #tpu.memory_space<vmem>>) target_semaphore(%run_scoped3A_82 : memref<!tpu.dma_semaphore, #tpu.memory_space<semaphore_mem>>)
          %dma_wait3A = arith.constant 0 : i32
          %dma_wait3A_89 = tpu.memref_slice %arg3[%run_scoped3A_67, %add3A, %mul3A_66, %dma_wait3A] : memref<2x32x80x128xi32, #tpu.memory_space<hbm>> -> memref<1x1x40x128xi32, #tpu.memory_space<hbm>>
          %dma_wait3A_90 = tpu.memref_squeeze %dma_wait3A_89 : memref<1x1x40x128xi32, #tpu.memory_space<hbm>> -> memref<40x128xi32, #tpu.memory_space<hbm>>
          %dma_wait3A_91 = arith.constant 0 : i32
          %dma_wait3A_92 = tpu.memref_slice %arg3[%run_scoped3A_67, %add3A, %mul3A_66, %dma_wait3A_91] : memref<2x32x80x128xi32, #tpu.memory_space<hbm>> -> memref<1x1x40x128xi32, #tpu.memory_space<hbm>>
          %dma_wait3A_93 = tpu.memref_squeeze %dma_wait3A_92 : memref<1x1x40x128xi32, #tpu.memory_space<hbm>> -> memref<40x128xi32, #tpu.memory_space<hbm>>
          tpu.wait_dma2 semaphore(%run_scoped3A_82 : memref<!tpu.dma_semaphore, #tpu.memory_space<semaphore_mem>>) src(%dma_wait3A_93 : memref<40x128xi32, #tpu.memory_space<hbm>>) dst(%arg6 : memref<40x128xi32, #tpu.memory_space<vmem>>)
          tpu.yield
        }) : () -> ()
        %dma_start3A_68 = arith.constant 0 : i32
        %dma_start3A_69 = arith.constant 0 : i32
        %dma_start3A_70 = tpu.memref_slice %arg5[%dma_start3A_68, %dma_start3A_69] : memref<40x128xi32, #tpu.memory_space<vmem>> -> memref<1x128xi32, #tpu.memory_space<vmem>>
        %dma_start3A_71 = tpu.memref_squeeze %dma_start3A_70 : memref<1x128xi32, #tpu.memory_space<vmem>> -> memref<128xi32, #tpu.memory_space<vmem>>
        %dma_start3A_72 = arith.constant 0 : i32
        %dma_start3A_73 = arith.constant 0 : i32
        %dma_start3A_74 = tpu.memref_slice %arg2[%dma_start3A_72, %dma_start3A_73] : memref<10000x128xf32, #tpu.memory_space<hbm>> -> memref<10000x128xf32, #tpu.memory_space<hbm>>
        tpu.enqueue_indirect_dma source(%dma_start3A_74 : memref<10000x128xf32, #tpu.memory_space<hbm>>) target(%arg7 : memref<128x128xf32, #tpu.memory_space<vmem>>) offsets(%dma_start3A_71 : memref<128xi32, #tpu.memory_space<vmem>>) semaphore(%arg10 : memref<!tpu.dma_semaphore, #tpu.memory_space<semaphore_mem>>)
        %dma_start3A_75 = arith.constant 1 : i32
        %dma_start3A_76 = arith.constant 0 : i32
        %dma_start3A_77 = tpu.memref_slice %arg5[%dma_start3A_75, %dma_start3A_76] : memref<40x128xi32, #tpu.memory_space<vmem>> -> memref<1x128xi32, #tpu.memory_space<vmem>>
        %dma_start3A_78 = tpu.memref_squeeze %dma_start3A_77 : memref<1x128xi32, #tpu.memory_space<vmem>> -> memref<128xi32, #tpu.memory_space<vmem>>
        %dma_start3A_79 = arith.constant 0 : i32
        %dma_start3A_80 = arith.constant 0 : i32
        %dma_start3A_81 = tpu.memref_slice %arg2[%dma_start3A_79, %dma_start3A_80] : memref<10000x128xf32, #tpu.memory_space<hbm>> -> memref<10000x128xf32, #tpu.memory_space<hbm>>
        tpu.enqueue_indirect_dma source(%dma_start3A_81 : memref<10000x128xf32, #tpu.memory_space<hbm>>) target(%arg8 : memref<128x128xf32, #tpu.memory_space<vmem>>) offsets(%dma_start3A_78 : memref<128xi32, #tpu.memory_space<vmem>>) semaphore(%arg11 : memref<!tpu.dma_semaphore, #tpu.memory_space<semaphore_mem>>)
      } else {
      }
      %scan3A_57 = arith.constant 0 : i32
      %scan3A_58 = arith.constant 20 : i32
      %scan3A_59 = arith.addi %scan3A_57, %scan3A_58 : i32
      %scan3A_60 = arith.constant 1 : i32
      scf.for %scan3A_62 = %scan3A_57 to %scan3A_59 step %scan3A_60  : i32 {
        %mul3A_63 = arith.constant 1 : i32
        %mul3A_64 = arith.muli %scan3A_62, %mul3A_63 : i32
        %add3A_65 = arith.constant 0 : i32
        %add3A_66 = arith.addi %add3A_65, %mul3A_64 : i32
        %mul3A_67 = arith.constant 2 : i32
        %mul3A_68 = arith.muli %add3A_66, %mul3A_67 : i32
        %add3A_69 = arith.constant 0 : i32
        %add3A_70 = arith.addi %mul3A_68, %add3A_69 : i32
        %dma_wait3A = arith.constant 0 : i32
        %dma_wait3A_71 = tpu.memref_slice %arg5[%add3A_70, %dma_wait3A] : memref<40x128xi32, #tpu.memory_space<vmem>> -> memref<1x128xi32, #tpu.memory_space<vmem>>
        %dma_wait3A_72 = tpu.memref_squeeze %dma_wait3A_71 : memref<1x128xi32, #tpu.memory_space<vmem>> -> memref<128xi32, #tpu.memory_space<vmem>>
        %dma_wait3A_73 = arith.constant 0 : i32
        %dma_wait3A_74 = arith.constant 0 : i32
        %dma_wait3A_75 = tpu.memref_slice %arg2[%dma_wait3A_73, %dma_wait3A_74] : memref<10000x128xf32, #tpu.memory_space<hbm>> -> memref<10000x128xf32, #tpu.memory_space<hbm>>
        tpu.wait_indirect_dma semaphore(%arg10 : memref<!tpu.dma_semaphore, #tpu.memory_space<semaphore_mem>>) src(%dma_wait3A_75 : memref<10000x128xf32, #tpu.memory_space<hbm>>) dst(%arg7 : memref<128x128xf32, #tpu.memory_space<vmem>>)
        %add3A_76 = arith.constant 0 : i32
        %add3A_77 = arith.addi %mul3A_68, %add3A_76 : i32
        %dma_start3A_78 = arith.constant 0 : i32
        %dma_start3A_79 = tpu.memref_slice %arg6[%add3A_77, %dma_start3A_78] : memref<40x128xi32, #tpu.memory_space<vmem>> -> memref<1x128xi32, #tpu.memory_space<vmem>>
        %dma_start3A_80 = tpu.memref_squeeze %dma_start3A_79 : memref<1x128xi32, #tpu.memory_space<vmem>> -> memref<128xi32, #tpu.memory_space<vmem>>
        %dma_start3A_81 = arith.constant 0 : i32
        %dma_start3A_82 = arith.constant 0 : i32
        %dma_start3A_83 = tpu.memref_slice %arg9[%dma_start3A_81, %dma_start3A_82] : memref<10128x128xf32, #tpu.memory_space<vmem_shared>> -> memref<10128x128xf32, #tpu.memory_space<vmem_shared>>
        tpu.enqueue_indirect_dma source(%arg7 : memref<128x128xf32, #tpu.memory_space<vmem>>) target(%dma_start3A_83 : memref<10128x128xf32, #tpu.memory_space<vmem_shared>>) offsets(%dma_start3A_80 : memref<128xi32, #tpu.memory_space<vmem>>) semaphore(%arg12 : memref<!tpu.dma_semaphore, #tpu.memory_space<semaphore_mem>>) {add = true}
        %add3A_84 = arith.constant 1 : i32
        %add3A_85 = arith.addi %mul3A_68, %add3A_84 : i32
        %dma_wait3A_86 = arith.constant 0 : i32
        %dma_wait3A_87 = tpu.memref_slice %arg5[%add3A_85, %dma_wait3A_86] : memref<40x128xi32, #tpu.memory_space<vmem>> -> memref<1x128xi32, #tpu.memory_space<vmem>>
        %dma_wait3A_88 = tpu.memref_squeeze %dma_wait3A_87 : memref<1x128xi32, #tpu.memory_space<vmem>> -> memref<128xi32, #tpu.memory_space<vmem>>
        %dma_wait3A_89 = arith.constant 0 : i32
        %dma_wait3A_90 = arith.constant 0 : i32
        %dma_wait3A_91 = tpu.memref_slice %arg2[%dma_wait3A_89, %dma_wait3A_90] : memref<10000x128xf32, #tpu.memory_space<hbm>> -> memref<10000x128xf32, #tpu.memory_space<hbm>>
        tpu.wait_indirect_dma semaphore(%arg11 : memref<!tpu.dma_semaphore, #tpu.memory_space<semaphore_mem>>) src(%dma_wait3A_91 : memref<10000x128xf32, #tpu.memory_space<hbm>>) dst(%arg8 : memref<128x128xf32, #tpu.memory_space<vmem>>)
        %add3A_92 = arith.constant 1 : i32
        %add3A_93 = arith.addi %mul3A_68, %add3A_92 : i32
        %dma_start3A_94 = arith.constant 0 : i32
        %dma_start3A_95 = tpu.memref_slice %arg6[%add3A_93, %dma_start3A_94] : memref<40x128xi32, #tpu.memory_space<vmem>> -> memref<1x128xi32, #tpu.memory_space<vmem>>
        %dma_start3A_96 = tpu.memref_squeeze %dma_start3A_95 : memref<1x128xi32, #tpu.memory_space<vmem>> -> memref<128xi32, #tpu.memory_space<vmem>>
        %dma_start3A_97 = arith.constant 0 : i32
        %dma_start3A_98 = arith.constant 0 : i32
        %dma_start3A_99 = tpu.memref_slice %arg9[%dma_start3A_97, %dma_start3A_98] : memref<10128x128xf32, #tpu.memory_space<vmem_shared>> -> memref<10128x128xf32, #tpu.memory_space<vmem_shared>>
        tpu.enqueue_indirect_dma source(%arg8 : memref<128x128xf32, #tpu.memory_space<vmem>>) target(%dma_start3A_99 : memref<10128x128xf32, #tpu.memory_space<vmem_shared>>) offsets(%dma_start3A_96 : memref<128xi32, #tpu.memory_space<vmem>>) semaphore(%arg13 : memref<!tpu.dma_semaphore, #tpu.memory_space<semaphore_mem>>) {add = true}
        %add3A_100 = arith.constant 0 : i32
        %add3A_101 = arith.addi %mul3A_68, %add3A_100 : i32
        %dma_wait3A_102 = arith.constant 0 : i32
        %dma_wait3A_103 = tpu.memref_slice %arg6[%add3A_101, %dma_wait3A_102] : memref<40x128xi32, #tpu.memory_space<vmem>> -> memref<1x128xi32, #tpu.memory_space<vmem>>
        %dma_wait3A_104 = tpu.memref_squeeze %dma_wait3A_103 : memref<1x128xi32, #tpu.memory_space<vmem>> -> memref<128xi32, #tpu.memory_space<vmem>>
        %dma_wait3A_105 = arith.constant 0 : i32
        %dma_wait3A_106 = arith.constant 0 : i32
        %dma_wait3A_107 = tpu.memref_slice %arg9[%dma_wait3A_105, %dma_wait3A_106] : memref<10128x128xf32, #tpu.memory_space<vmem_shared>> -> memref<10128x128xf32, #tpu.memory_space<vmem_shared>>
        tpu.wait_indirect_dma semaphore(%arg12 : memref<!tpu.dma_semaphore, #tpu.memory_space<semaphore_mem>>) src(%arg7 : memref<128x128xf32, #tpu.memory_space<vmem>>) dst(%dma_wait3A_107 : memref<10128x128xf32, #tpu.memory_space<vmem_shared>>)
        %add3A_108 = arith.constant 0 : i32
        %add3A_109 = arith.addi %mul3A_68, %add3A_108 : i32
        %add3A_110 = arith.constant 2 : i32
        %add3A_111 = arith.addi %add3A_109, %add3A_110 : i32
        %lt3A_112 = arith.constant 40 : i32
        %lt3A_113 = arith.cmpi slt, %add3A_111, %lt3A_112 : i32
        %convert_element_type3A_114 = arith.extui %lt3A_113 : i1 to i32
        %cond3A_115 = arith.constant 0 : i32
        %cond3A_116 = arith.cmpi ne, %convert_element_type3A_114, %cond3A_115 : i32
        scf.if %cond3A_116 {
          %add3A_134 = arith.constant 0 : i32
          %add3A_135 = arith.addi %mul3A_68, %add3A_134 : i32
          %add3A_136 = arith.constant 2 : i32
          %add3A_137 = arith.addi %add3A_135, %add3A_136 : i32
          %dma_start3A_138 = arith.constant 0 : i32
          %dma_start3A_139 = tpu.memref_slice %arg5[%add3A_137, %dma_start3A_138] : memref<40x128xi32, #tpu.memory_space<vmem>> -> memref<1x128xi32, #tpu.memory_space<vmem>>
          %dma_start3A_140 = tpu.memref_squeeze %dma_start3A_139 : memref<1x128xi32, #tpu.memory_space<vmem>> -> memref<128xi32, #tpu.memory_space<vmem>>
          %dma_start3A_141 = arith.constant 0 : i32
          %dma_start3A_142 = arith.constant 0 : i32
          %dma_start3A_143 = tpu.memref_slice %arg2[%dma_start3A_141, %dma_start3A_142] : memref<10000x128xf32, #tpu.memory_space<hbm>> -> memref<10000x128xf32, #tpu.memory_space<hbm>>
          tpu.enqueue_indirect_dma source(%dma_start3A_143 : memref<10000x128xf32, #tpu.memory_space<hbm>>) target(%arg7 : memref<128x128xf32, #tpu.memory_space<vmem>>) offsets(%dma_start3A_140 : memref<128xi32, #tpu.memory_space<vmem>>) semaphore(%arg10 : memref<!tpu.dma_semaphore, #tpu.memory_space<semaphore_mem>>)
        } else {
        }
        %add3A_117 = arith.constant 1 : i32
        %add3A_118 = arith.addi %mul3A_68, %add3A_117 : i32
        %dma_wait3A_119 = arith.constant 0 : i32
        %dma_wait3A_120 = tpu.memref_slice %arg6[%add3A_118, %dma_wait3A_119] : memref<40x128xi32, #tpu.memory_space<vmem>> -> memref<1x128xi32, #tpu.memory_space<vmem>>
        %dma_wait3A_121 = tpu.memref_squeeze %dma_wait3A_120 : memref<1x128xi32, #tpu.memory_space<vmem>> -> memref<128xi32, #tpu.memory_space<vmem>>
        %dma_wait3A_122 = arith.constant 0 : i32
        %dma_wait3A_123 = arith.constant 0 : i32
        %dma_wait3A_124 = tpu.memref_slice %arg9[%dma_wait3A_122, %dma_wait3A_123] : memref<10128x128xf32, #tpu.memory_space<vmem_shared>> -> memref<10128x128xf32, #tpu.memory_space<vmem_shared>>
        tpu.wait_indirect_dma semaphore(%arg13 : memref<!tpu.dma_semaphore, #tpu.memory_space<semaphore_mem>>) src(%arg8 : memref<128x128xf32, #tpu.memory_space<vmem>>) dst(%dma_wait3A_124 : memref<10128x128xf32, #tpu.memory_space<vmem_shared>>)
        %add3A_125 = arith.constant 1 : i32
        %add3A_126 = arith.addi %mul3A_68, %add3A_125 : i32
        %add3A_127 = arith.constant 2 : i32
        %add3A_128 = arith.addi %add3A_126, %add3A_127 : i32
        %lt3A_129 = arith.constant 40 : i32
        %lt3A_130 = arith.cmpi slt, %add3A_128, %lt3A_129 : i32
        %convert_element_type3A_131 = arith.extui %lt3A_130 : i1 to i32
        %cond3A_132 = arith.constant 0 : i32
        %cond3A_133 = arith.cmpi ne, %convert_element_type3A_131, %cond3A_132 : i32
        scf.if %cond3A_133 {
          %add3A_134 = arith.constant 1 : i32
          %add3A_135 = arith.addi %mul3A_68, %add3A_134 : i32
          %add3A_136 = arith.constant 2 : i32
          %add3A_137 = arith.addi %add3A_135, %add3A_136 : i32
          %dma_start3A_138 = arith.constant 0 : i32
          %dma_start3A_139 = tpu.memref_slice %arg5[%add3A_137, %dma_start3A_138] : memref<40x128xi32, #tpu.memory_space<vmem>> -> memref<1x128xi32, #tpu.memory_space<vmem>>
          %dma_start3A_140 = tpu.memref_squeeze %dma_start3A_139 : memref<1x128xi32, #tpu.memory_space<vmem>> -> memref<128xi32, #tpu.memory_space<vmem>>
          %dma_start3A_141 = arith.constant 0 : i32
          %dma_start3A_142 = arith.constant 0 : i32
          %dma_start3A_143 = tpu.memref_slice %arg2[%dma_start3A_141, %dma_start3A_142] : memref<10000x128xf32, #tpu.memory_space<hbm>> -> memref<10000x128xf32, #tpu.memory_space<hbm>>
          tpu.enqueue_indirect_dma source(%dma_start3A_143 : memref<10000x128xf32, #tpu.memory_space<hbm>>) target(%arg8 : memref<128x128xf32, #tpu.memory_space<vmem>>) offsets(%dma_start3A_140 : memref<128xi32, #tpu.memory_space<vmem>>) semaphore(%arg11 : memref<!tpu.dma_semaphore, #tpu.memory_space<semaphore_mem>>)
        } else {
        }
      }
      %scan3A_61 = arith.constant 20 : i32
    }
    %scan3A_36 = arith.constant 2 : i32
    %barrier3A_37 = arith.constant 0 : index
    tpu.barrier barrier_id(%barrier3A_37)
    %lt3A_38 = arith.constant 15 : i32
    %lt3A_39 = arith.cmpi slt, %arg1, %lt3A_38 : i32
    %convert_element_type3A_40 = arith.extui %lt3A_39 : i1 to i32
    %cond3A_41 = arith.constant 0 : i32
    %cond3A_42 = arith.cmpi ne, %convert_element_type3A_40, %cond3A_41 : i32
    scf.if %cond3A_42 {
      %mul3A_48 = arith.constant 10000 : i32
      %mul3A_49 = arith.muli %arg0, %mul3A_48 : i32
      %add3A_50 = arith.addi %mul3A_49, %mul3A_2 : i32
      "tpu.region"() ({
        %run_scoped3A_51 = tpu.sem_alloc : memref<!tpu.dma_semaphore, #tpu.memory_space<semaphore_mem>>
        %dma_start3A_52 = arith.constant 0 : i32
        %dma_start3A_53 = tpu.memref_slice %arg4[%add3A_50, %dma_start3A_52] : memref<20000x128xf32, #tpu.memory_space<hbm>> -> memref<632x128xf32, #tpu.memory_space<hbm>>
        %dma_start3A_54 = arith.constant 0 : i32
        %dma_start3A_55 = tpu.memref_slice %arg9[%mul3A_2, %dma_start3A_54] : memref<10128x128xf32, #tpu.memory_space<vmem_shared>> -> memref<632x128xf32, #tpu.memory_space<vmem_shared>>
        tpu.enqueue_dma source(%dma_start3A_55 : memref<632x128xf32, #tpu.memory_space<vmem_shared>>) target(%dma_start3A_53 : memref<632x128xf32, #tpu.memory_space<hbm>>) target_semaphore(%run_scoped3A_51 : memref<!tpu.dma_semaphore, #tpu.memory_space<semaphore_mem>>)
        %dma_wait3A = arith.constant 0 : i32
        %dma_wait3A_56 = tpu.memref_slice %arg4[%add3A_50, %dma_wait3A] : memref<20000x128xf32, #tpu.memory_space<hbm>> -> memref<632x128xf32, #tpu.memory_space<hbm>>
        %dma_wait3A_57 = arith.constant 0 : i32
        %dma_wait3A_58 = tpu.memref_slice %arg9[%mul3A_2, %dma_wait3A_57] : memref<10128x128xf32, #tpu.memory_space<vmem_shared>> -> memref<632x128xf32, #tpu.memory_space<vmem_shared>>
        tpu.wait_dma2 semaphore(%run_scoped3A_51 : memref<!tpu.dma_semaphore, #tpu.memory_space<semaphore_mem>>) src(%dma_wait3A_58 : memref<632x128xf32, #tpu.memory_space<vmem_shared>>) dst(%dma_wait3A_56 : memref<632x128xf32, #tpu.memory_space<hbm>>)
        tpu.yield
      }) : () -> ()
    } else {
    }
    %eq3A_43 = arith.constant 15 : i32
    %eq3A_44 = arith.cmpi eq, %arg1, %eq3A_43 : i32
    %convert_element_type3A_45 = arith.extui %eq3A_44 : i1 to i32
    %cond3A_46 = arith.constant 0 : i32
    %cond3A_47 = arith.cmpi ne, %convert_element_type3A_45, %cond3A_46 : i32
    scf.if %cond3A_47 {
      %mul3A_48 = arith.constant 10000 : i32
      %mul3A_49 = arith.muli %arg0, %mul3A_48 : i32
      %add3A_50 = arith.addi %mul3A_49, %mul3A_2 : i32
      "tpu.region"() ({
        %run_scoped3A_51 = tpu.sem_alloc : memref<!tpu.dma_semaphore, #tpu.memory_space<semaphore_mem>>
        %dma_start3A_52 = arith.constant 0 : i32
        %dma_start3A_53 = tpu.memref_slice %arg4[%add3A_50, %dma_start3A_52] : memref<20000x128xf32, #tpu.memory_space<hbm>> -> memref<520x128xf32, #tpu.memory_space<hbm>>
        %dma_start3A_54 = arith.constant 0 : i32
        %dma_start3A_55 = tpu.memref_slice %arg9[%mul3A_2, %dma_start3A_54] : memref<10128x128xf32, #tpu.memory_space<vmem_shared>> -> memref<520x128xf32, #tpu.memory_space<vmem_shared>>
        tpu.enqueue_dma source(%dma_start3A_55 : memref<520x128xf32, #tpu.memory_space<vmem_shared>>) target(%dma_start3A_53 : memref<520x128xf32, #tpu.memory_space<hbm>>) target_semaphore(%run_scoped3A_51 : memref<!tpu.dma_semaphore, #tpu.memory_space<semaphore_mem>>)
        %dma_wait3A = arith.constant 0 : i32
        %dma_wait3A_56 = tpu.memref_slice %arg4[%add3A_50, %dma_wait3A] : memref<20000x128xf32, #tpu.memory_space<hbm>> -> memref<520x128xf32, #tpu.memory_space<hbm>>
        %dma_wait3A_57 = arith.constant 0 : i32
        %dma_wait3A_58 = tpu.memref_slice %arg9[%mul3A_2, %dma_wait3A_57] : memref<10128x128xf32, #tpu.memory_space<vmem_shared>> -> memref<520x128xf32, #tpu.memory_space<vmem_shared>>
        tpu.wait_dma2 semaphore(%run_scoped3A_51 : memref<!tpu.dma_semaphore, #tpu.memory_space<semaphore_mem>>) src(%dma_wait3A_58 : memref<520x128xf32, #tpu.memory_space<vmem_shared>>) dst(%dma_wait3A_56 : memref<520x128xf32, #tpu.memory_space<hbm>>)
        tpu.yield
      }) : () -> ()
    } else {
    }
    return
  }
}

#map = affine_map<(d0, d1) -> (0, 0)>
#map1 = affine_map<(d0, d1) -> (0, 0, 0, 0)>
module attributes {stable_mosaic.version = 14 : i64} {
  func.func @seg_sum(%arg0: i32, %arg1: i32, %arg2: memref<10000x128xf32, #tpu.memory_space<hbm>>, %arg3: memref<2x32x80x128xi32, #tpu.memory_space<hbm>>, %arg4: memref<20000x128xf32, #tpu.memory_space<hbm>>, %arg5: memref<40x128xi32, #tpu.memory_space<vmem>>, %arg6: memref<40x128xi32, #tpu.memory_space<vmem>>, %arg7: memref<128x128xf32, #tpu.memory_space<vmem>>, %arg8: memref<128x128xf32, #tpu.memory_space<vmem>>, %arg9: memref<10128x128xf32, #tpu.memory_space<vmem_shared>>, %arg10: memref<!tpu.dma_semaphore, #tpu.memory_space<semaphore_mem>>, %arg11: memref<!tpu.dma_semaphore, #tpu.memory_space<semaphore_mem>>, %arg12: memref<!tpu.dma_semaphore, #tpu.memory_space<semaphore_mem>>, %arg13: memref<!tpu.dma_semaphore, #tpu.memory_space<semaphore_mem>>, %arg14: memref<!tpu.dma_semaphore, #tpu.memory_space<semaphore_mem>>) attributes {dimension_semantics = [#tpu.dimension_semantics<core_parallel>, #tpu.dimension_semantics<subcore_parallel>], iteration_bounds = array<i64: 2, 16>, scalar_prefetch = 0 : i64, scratch_operands = 10 : i64, tpu.core_type = #tpu.core_type<sc_vector_subcore>, window_params = [{transform_indices = #map}, {transform_indices = #map1}, {transform_indices = #map}]} {
    %mul3A = arith.constant 16 : i32
    %mul3A_0 = arith.muli %arg0, %mul3A : i32
    %add3A = arith.addi %mul3A_0, %arg1 : i32
    %mul3A_1 = arith.constant 632 : i32
    %mul3A_2 = arith.muli %arg1, %mul3A_1 : i32
    %lt3A = arith.constant 15 : i32
    %lt3A_3 = arith.cmpi slt, %arg1, %lt3A : i32
    %convert_element_type3A = arith.extui %lt3A_3 : i1 to i32
    %cond3A = arith.constant 0 : i32
    %cond3A_4 = arith.cmpi ne, %convert_element_type3A, %cond3A : i32
    scf.if %cond3A_4 {
      %dma_start3A_48 = arith.constant 0 : i32
      %dma_start3A_49 = tpu.memref_slice %arg9[%mul3A_2, %dma_start3A_48] : memref<10128x128xf32, #tpu.memory_space<vmem_shared>> -> memref<632x128xf32, #tpu.memory_space<vmem_shared>>
      %dma_start3A_50 = arith.constant 0 : i32
      %dma_start3A_51 = tpu.memref_slice %arg2[%mul3A_2, %dma_start3A_50] : memref<10000x128xf32, #tpu.memory_space<hbm>> -> memref<632x128xf32, #tpu.memory_space<hbm>>
      tpu.enqueue_dma source(%dma_start3A_51 : memref<632x128xf32, #tpu.memory_space<hbm>>) target(%dma_start3A_49 : memref<632x128xf32, #tpu.memory_space<vmem_shared>>) target_semaphore(%arg14 : memref<!tpu.dma_semaphore, #tpu.memory_space<semaphore_mem>>)
    } else {
    }
    %eq3A = arith.constant 15 : i32
    %eq3A_5 = arith.cmpi eq, %arg1, %eq3A : i32
    %convert_element_type3A_6 = arith.extui %eq3A_5 : i1 to i32
    %cond3A_7 = arith.constant 0 : i32
    %cond3A_8 = arith.cmpi ne, %convert_element_type3A_6, %cond3A_7 : i32
    scf.if %cond3A_8 {
      %dma_start3A_48 = arith.constant 0 : i32
      %dma_start3A_49 = tpu.memref_slice %arg9[%mul3A_2, %dma_start3A_48] : memref<10128x128xf32, #tpu.memory_space<vmem_shared>> -> memref<520x128xf32, #tpu.memory_space<vmem_shared>>
      %dma_start3A_50 = arith.constant 0 : i32
      %dma_start3A_51 = tpu.memref_slice %arg2[%mul3A_2, %dma_start3A_50] : memref<10000x128xf32, #tpu.memory_space<hbm>> -> memref<520x128xf32, #tpu.memory_space<hbm>>
      tpu.enqueue_dma source(%dma_start3A_51 : memref<520x128xf32, #tpu.memory_space<hbm>>) target(%dma_start3A_49 : memref<520x128xf32, #tpu.memory_space<vmem_shared>>) target_semaphore(%arg14 : memref<!tpu.dma_semaphore, #tpu.memory_space<semaphore_mem>>)
    } else {
    }
    %run_scoped3A = arith.constant 0 : i32
    "tpu.region"() ({
      %run_scoped3A_48 = tpu.sem_alloc : memref<!tpu.dma_semaphore, #tpu.memory_space<semaphore_mem>>
      %dma_start3A_49 = arith.constant 0 : i32
      %dma_start3A_50 = arith.constant 0 : i32
      %dma_start3A_51 = tpu.memref_slice %arg3[%run_scoped3A, %add3A, %dma_start3A_49, %dma_start3A_50] : memref<2x32x80x128xi32, #tpu.memory_space<hbm>> -> memref<1x1x40x128xi32, #tpu.memory_space<hbm>>
      %dma_start3A_52 = tpu.memref_squeeze %dma_start3A_51 : memref<1x1x40x128xi32, #tpu.memory_space<hbm>> -> memref<40x128xi32, #tpu.memory_space<hbm>>
      %dma_start3A_53 = arith.constant 0 : i32
      %dma_start3A_54 = arith.constant 0 : i32
      %dma_start3A_55 = tpu.memref_slice %arg3[%run_scoped3A, %add3A, %dma_start3A_53, %dma_start3A_54] : memref<2x32x80x128xi32, #tpu.memory_space<hbm>> -> memref<1x1x40x128xi32, #tpu.memory_space<hbm>>
      %dma_start3A_56 = tpu.memref_squeeze %dma_start3A_55 : memref<1x1x40x128xi32, #tpu.memory_space<hbm>> -> memref<40x128xi32, #tpu.memory_space<hbm>>
      tpu.enqueue_dma source(%dma_start3A_56 : memref<40x128xi32, #tpu.memory_space<hbm>>) target(%arg5 : memref<40x128xi32, #tpu.memory_space<vmem>>) target_semaphore(%run_scoped3A_48 : memref<!tpu.dma_semaphore, #tpu.memory_space<semaphore_mem>>)
      %dma_wait3A = arith.constant 0 : i32
      %dma_wait3A_57 = arith.constant 0 : i32
      %dma_wait3A_58 = tpu.memref_slice %arg3[%run_scoped3A, %add3A, %dma_wait3A, %dma_wait3A_57] : memref<2x32x80x128xi32, #tpu.memory_space<hbm>> -> memref<1x1x40x128xi32, #tpu.memory_space<hbm>>
      %dma_wait3A_59 = tpu.memref_squeeze %dma_wait3A_58 : memref<1x1x40x128xi32, #tpu.memory_space<hbm>> -> memref<40x128xi32, #tpu.memory_space<hbm>>
      %dma_wait3A_60 = arith.constant 0 : i32
      %dma_wait3A_61 = arith.constant 0 : i32
      %dma_wait3A_62 = tpu.memref_slice %arg3[%run_scoped3A, %add3A, %dma_wait3A_60, %dma_wait3A_61] : memref<2x32x80x128xi32, #tpu.memory_space<hbm>> -> memref<1x1x40x128xi32, #tpu.memory_space<hbm>>
      %dma_wait3A_63 = tpu.memref_squeeze %dma_wait3A_62 : memref<1x1x40x128xi32, #tpu.memory_space<hbm>> -> memref<40x128xi32, #tpu.memory_space<hbm>>
      tpu.wait_dma2 semaphore(%run_scoped3A_48 : memref<!tpu.dma_semaphore, #tpu.memory_space<semaphore_mem>>) src(%dma_wait3A_63 : memref<40x128xi32, #tpu.memory_space<hbm>>) dst(%arg5 : memref<40x128xi32, #tpu.memory_space<vmem>>)
      tpu.yield
    }) : () -> ()
    %run_scoped3A_9 = arith.constant 1 : i32
    "tpu.region"() ({
      %run_scoped3A_48 = tpu.sem_alloc : memref<!tpu.dma_semaphore, #tpu.memory_space<semaphore_mem>>
      %dma_start3A_49 = arith.constant 0 : i32
      %dma_start3A_50 = arith.constant 0 : i32
      %dma_start3A_51 = tpu.memref_slice %arg3[%run_scoped3A_9, %add3A, %dma_start3A_49, %dma_start3A_50] : memref<2x32x80x128xi32, #tpu.memory_space<hbm>> -> memref<1x1x40x128xi32, #tpu.memory_space<hbm>>
      %dma_start3A_52 = tpu.memref_squeeze %dma_start3A_51 : memref<1x1x40x128xi32, #tpu.memory_space<hbm>> -> memref<40x128xi32, #tpu.memory_space<hbm>>
      %dma_start3A_53 = arith.constant 0 : i32
      %dma_start3A_54 = arith.constant 0 : i32
      %dma_start3A_55 = tpu.memref_slice %arg3[%run_scoped3A_9, %add3A, %dma_start3A_53, %dma_start3A_54] : memref<2x32x80x128xi32, #tpu.memory_space<hbm>> -> memref<1x1x40x128xi32, #tpu.memory_space<hbm>>
      %dma_start3A_56 = tpu.memref_squeeze %dma_start3A_55 : memref<1x1x40x128xi32, #tpu.memory_space<hbm>> -> memref<40x128xi32, #tpu.memory_space<hbm>>
      tpu.enqueue_dma source(%dma_start3A_56 : memref<40x128xi32, #tpu.memory_space<hbm>>) target(%arg6 : memref<40x128xi32, #tpu.memory_space<vmem>>) target_semaphore(%run_scoped3A_48 : memref<!tpu.dma_semaphore, #tpu.memory_space<semaphore_mem>>)
      %dma_wait3A = arith.constant 0 : i32
      %dma_wait3A_57 = arith.constant 0 : i32
      %dma_wait3A_58 = tpu.memref_slice %arg3[%run_scoped3A_9, %add3A, %dma_wait3A, %dma_wait3A_57] : memref<2x32x80x128xi32, #tpu.memory_space<hbm>> -> memref<1x1x40x128xi32, #tpu.memory_space<hbm>>
      %dma_wait3A_59 = tpu.memref_squeeze %dma_wait3A_58 : memref<1x1x40x128xi32, #tpu.memory_space<hbm>> -> memref<40x128xi32, #tpu.memory_space<hbm>>
      %dma_wait3A_60 = arith.constant 0 : i32
      %dma_wait3A_61 = arith.constant 0 : i32
      %dma_wait3A_62 = tpu.memref_slice %arg3[%run_scoped3A_9, %add3A, %dma_wait3A_60, %dma_wait3A_61] : memref<2x32x80x128xi32, #tpu.memory_space<hbm>> -> memref<1x1x40x128xi32, #tpu.memory_space<hbm>>
      %dma_wait3A_63 = tpu.memref_squeeze %dma_wait3A_62 : memref<1x1x40x128xi32, #tpu.memory_space<hbm>> -> memref<40x128xi32, #tpu.memory_space<hbm>>
      tpu.wait_dma2 semaphore(%run_scoped3A_48 : memref<!tpu.dma_semaphore, #tpu.memory_space<semaphore_mem>>) src(%dma_wait3A_63 : memref<40x128xi32, #tpu.memory_space<hbm>>) dst(%arg6 : memref<40x128xi32, #tpu.memory_space<vmem>>)
      tpu.yield
    }) : () -> ()
    %dma_start3A = arith.constant 0 : i32
    %dma_start3A_10 = arith.constant 0 : i32
    %dma_start3A_11 = tpu.memref_slice %arg5[%dma_start3A, %dma_start3A_10] : memref<40x128xi32, #tpu.memory_space<vmem>> -> memref<1x128xi32, #tpu.memory_space<vmem>>
    %dma_start3A_12 = tpu.memref_squeeze %dma_start3A_11 : memref<1x128xi32, #tpu.memory_space<vmem>> -> memref<128xi32, #tpu.memory_space<vmem>>
    %dma_start3A_13 = arith.constant 0 : i32
    %dma_start3A_14 = arith.constant 0 : i32
    %dma_start3A_15 = tpu.memref_slice %arg2[%dma_start3A_13, %dma_start3A_14] : memref<10000x128xf32, #tpu.memory_space<hbm>> -> memref<10000x128xf32, #tpu.memory_space<hbm>>
    tpu.enqueue_indirect_dma source(%dma_start3A_15 : memref<10000x128xf32, #tpu.memory_space<hbm>>) target(%arg7 : memref<128x128xf32, #tpu.memory_space<vmem>>) offsets(%dma_start3A_12 : memref<128xi32, #tpu.memory_space<vmem>>) semaphore(%arg10 : memref<!tpu.dma_semaphore, #tpu.memory_space<semaphore_mem>>)
    %dma_start3A_16 = arith.constant 1 : i32
    %dma_start3A_17 = arith.constant 0 : i32
    %dma_start3A_18 = tpu.memref_slice %arg5[%dma_start3A_16, %dma_start3A_17] : memref<40x128xi32, #tpu.memory_space<vmem>> -> memref<1x128xi32, #tpu.memory_space<vmem>>
    %dma_start3A_19 = tpu.memref_squeeze %dma_start3A_18 : memref<1x128xi32, #tpu.memory_space<vmem>> -> memref<128xi32, #tpu.memory_space<vmem>>
    %dma_start3A_20 = arith.constant 0 : i32
    %dma_start3A_21 = arith.constant 0 : i32
    %dma_start3A_22 = tpu.memref_slice %arg2[%dma_start3A_20, %dma_start3A_21] : memref<10000x128xf32, #tpu.memory_space<hbm>> -> memref<10000x128xf32, #tpu.memory_space<hbm>>
    tpu.enqueue_indirect_dma source(%dma_start3A_22 : memref<10000x128xf32, #tpu.memory_space<hbm>>) target(%arg8 : memref<128x128xf32, #tpu.memory_space<vmem>>) offsets(%dma_start3A_19 : memref<128xi32, #tpu.memory_space<vmem>>) semaphore(%arg11 : memref<!tpu.dma_semaphore, #tpu.memory_space<semaphore_mem>>)
    %lt3A_23 = arith.constant 15 : i32
    %lt3A_24 = arith.cmpi slt, %arg1, %lt3A_23 : i32
    %convert_element_type3A_25 = arith.extui %lt3A_24 : i1 to i32
    %cond3A_26 = arith.constant 0 : i32
    %cond3A_27 = arith.cmpi ne, %convert_element_type3A_25, %cond3A_26 : i32
    scf.if %cond3A_27 {
      %dma_wait3A = arith.constant 0 : i32
      %dma_wait3A_48 = tpu.memref_slice %arg9[%mul3A_2, %dma_wait3A] : memref<10128x128xf32, #tpu.memory_space<vmem_shared>> -> memref<632x128xf32, #tpu.memory_space<vmem_shared>>
      %dma_wait3A_49 = arith.constant 0 : i32
      %dma_wait3A_50 = tpu.memref_slice %arg2[%mul3A_2, %dma_wait3A_49] : memref<10000x128xf32, #tpu.memory_space<hbm>> -> memref<632x128xf32, #tpu.memory_space<hbm>>
      tpu.wait_dma2 semaphore(%arg14 : memref<!tpu.dma_semaphore, #tpu.memory_space<semaphore_mem>>) src(%dma_wait3A_50 : memref<632x128xf32, #tpu.memory_space<hbm>>) dst(%dma_wait3A_48 : memref<632x128xf32, #tpu.memory_space<vmem_shared>>)
    } else {
    }
    %eq3A_28 = arith.constant 15 : i32
    %eq3A_29 = arith.cmpi eq, %arg1, %eq3A_28 : i32
    %convert_element_type3A_30 = arith.extui %eq3A_29 : i1 to i32
    %cond3A_31 = arith.constant 0 : i32
    %cond3A_32 = arith.cmpi ne, %convert_element_type3A_30, %cond3A_31 : i32
    scf.if %cond3A_32 {
      %dma_wait3A = arith.constant 0 : i32
      %dma_wait3A_48 = tpu.memref_slice %arg9[%mul3A_2, %dma_wait3A] : memref<10128x128xf32, #tpu.memory_space<vmem_shared>> -> memref<520x128xf32, #tpu.memory_space<vmem_shared>>
      %dma_wait3A_49 = arith.constant 0 : i32
      %dma_wait3A_50 = tpu.memref_slice %arg2[%mul3A_2, %dma_wait3A_49] : memref<10000x128xf32, #tpu.memory_space<hbm>> -> memref<520x128xf32, #tpu.memory_space<hbm>>
      tpu.wait_dma2 semaphore(%arg14 : memref<!tpu.dma_semaphore, #tpu.memory_space<semaphore_mem>>) src(%dma_wait3A_50 : memref<520x128xf32, #tpu.memory_space<hbm>>) dst(%dma_wait3A_48 : memref<520x128xf32, #tpu.memory_space<vmem_shared>>)
    } else {
    }
    %barrier3A = arith.constant 0 : index
    tpu.barrier barrier_id(%barrier3A)
    %scan3A = arith.constant 0 : i32
    %scan3A_33 = arith.constant 2 : i32
    %scan3A_34 = arith.addi %scan3A, %scan3A_33 : i32
    %scan3A_35 = arith.constant 1 : i32
    scf.for %scan3A_48 = %scan3A to %scan3A_34 step %scan3A_35  : i32 {
      %mul3A_49 = arith.constant 1 : i32
      %mul3A_50 = arith.muli %scan3A_48, %mul3A_49 : i32
      %add3A_51 = arith.constant 0 : i32
      %add3A_52 = arith.addi %add3A_51, %mul3A_50 : i32
      %gt3A = arith.constant 0 : i32
      %gt3A_53 = arith.cmpi sgt, %add3A_52, %gt3A : i32
      %convert_element_type3A_54 = arith.extui %gt3A_53 : i1 to i32
      %cond3A_55 = arith.constant 0 : i32
      %cond3A_56 = arith.cmpi ne, %convert_element_type3A_54, %cond3A_55 : i32
      scf.if %cond3A_56 {
        %mul3A_62 = arith.constant 40 : i32
        %mul3A_63 = arith.muli %add3A_52, %mul3A_62 : i32
        %run_scoped3A_64 = arith.constant 0 : i32
        "tpu.region"() ({
          %run_scoped3A_82 = tpu.sem_alloc : memref<!tpu.dma_semaphore, #tpu.memory_space<semaphore_mem>>
          %dma_start3A_83 = arith.constant 0 : i32
          %dma_start3A_84 = tpu.memref_slice %arg3[%run_scoped3A_64, %add3A, %mul3A_63, %dma_start3A_83] : memref<2x32x80x128xi32, #tpu.memory_space<hbm>> -> memref<1x1x40x128xi32, #tpu.memory_space<hbm>>
          %dma_start3A_85 = tpu.memref_squeeze %dma_start3A_84 : memref<1x1x40x128xi32, #tpu.memory_space<hbm>> -> memref<40x128xi32, #tpu.memory_space<hbm>>
          %dma_start3A_86 = arith.constant 0 : i32
          %dma_start3A_87 = tpu.memref_slice %arg3[%run_scoped3A_64, %add3A, %mul3A_63, %dma_start3A_86] : memref<2x32x80x128xi32, #tpu.memory_space<hbm>> -> memref<1x1x40x128xi32, #tpu.memory_space<hbm>>
          %dma_start3A_88 = tpu.memref_squeeze %dma_start3A_87 : memref<1x1x40x128xi32, #tpu.memory_space<hbm>> -> memref<40x128xi32, #tpu.memory_space<hbm>>
          tpu.enqueue_dma source(%dma_start3A_88 : memref<40x128xi32, #tpu.memory_space<hbm>>) target(%arg5 : memref<40x128xi32, #tpu.memory_space<vmem>>) target_semaphore(%run_scoped3A_82 : memref<!tpu.dma_semaphore, #tpu.memory_space<semaphore_mem>>)
          %dma_wait3A = arith.constant 0 : i32
          %dma_wait3A_89 = tpu.memref_slice %arg3[%run_scoped3A_64, %add3A, %mul3A_63, %dma_wait3A] : memref<2x32x80x128xi32, #tpu.memory_space<hbm>> -> memref<1x1x40x128xi32, #tpu.memory_space<hbm>>
          %dma_wait3A_90 = tpu.memref_squeeze %dma_wait3A_89 : memref<1x1x40x128xi32, #tpu.memory_space<hbm>> -> memref<40x128xi32, #tpu.memory_space<hbm>>
          %dma_wait3A_91 = arith.constant 0 : i32
          %dma_wait3A_92 = tpu.memref_slice %arg3[%run_scoped3A_64, %add3A, %mul3A_63, %dma_wait3A_91] : memref<2x32x80x128xi32, #tpu.memory_space<hbm>> -> memref<1x1x40x128xi32, #tpu.memory_space<hbm>>
          %dma_wait3A_93 = tpu.memref_squeeze %dma_wait3A_92 : memref<1x1x40x128xi32, #tpu.memory_space<hbm>> -> memref<40x128xi32, #tpu.memory_space<hbm>>
          tpu.wait_dma2 semaphore(%run_scoped3A_82 : memref<!tpu.dma_semaphore, #tpu.memory_space<semaphore_mem>>) src(%dma_wait3A_93 : memref<40x128xi32, #tpu.memory_space<hbm>>) dst(%arg5 : memref<40x128xi32, #tpu.memory_space<vmem>>)
          tpu.yield
        }) : () -> ()
        %mul3A_65 = arith.constant 40 : i32
        %mul3A_66 = arith.muli %add3A_52, %mul3A_65 : i32
        %run_scoped3A_67 = arith.constant 1 : i32
        "tpu.region"() ({
          %run_scoped3A_82 = tpu.sem_alloc : memref<!tpu.dma_semaphore, #tpu.memory_space<semaphore_mem>>
          %dma_start3A_83 = arith.constant 0 : i32
          %dma_start3A_84 = tpu.memref_slice %arg3[%run_scoped3A_67, %add3A, %mul3A_66, %dma_start3A_83] : memref<2x32x80x128xi32, #tpu.memory_space<hbm>> -> memref<1x1x40x128xi32, #tpu.memory_space<hbm>>
          %dma_start3A_85 = tpu.memref_squeeze %dma_start3A_84 : memref<1x1x40x128xi32, #tpu.memory_space<hbm>> -> memref<40x128xi32, #tpu.memory_space<hbm>>
          %dma_start3A_86 = arith.constant 0 : i32
          %dma_start3A_87 = tpu.memref_slice %arg3[%run_scoped3A_67, %add3A, %mul3A_66, %dma_start3A_86] : memref<2x32x80x128xi32, #tpu.memory_space<hbm>> -> memref<1x1x40x128xi32, #tpu.memory_space<hbm>>
          %dma_start3A_88 = tpu.memref_squeeze %dma_start3A_87 : memref<1x1x40x128xi32, #tpu.memory_space<hbm>> -> memref<40x128xi32, #tpu.memory_space<hbm>>
          tpu.enqueue_dma source(%dma_start3A_88 : memref<40x128xi32, #tpu.memory_space<hbm>>) target(%arg6 : memref<40x128xi32, #tpu.memory_space<vmem>>) target_semaphore(%run_scoped3A_82 : memref<!tpu.dma_semaphore, #tpu.memory_space<semaphore_mem>>)
          %dma_wait3A = arith.constant 0 : i32
          %dma_wait3A_89 = tpu.memref_slice %arg3[%run_scoped3A_67, %add3A, %mul3A_66, %dma_wait3A] : memref<2x32x80x128xi32, #tpu.memory_space<hbm>> -> memref<1x1x40x128xi32, #tpu.memory_space<hbm>>
          %dma_wait3A_90 = tpu.memref_squeeze %dma_wait3A_89 : memref<1x1x40x128xi32, #tpu.memory_space<hbm>> -> memref<40x128xi32, #tpu.memory_space<hbm>>
          %dma_wait3A_91 = arith.constant 0 : i32
          %dma_wait3A_92 = tpu.memref_slice %arg3[%run_scoped3A_67, %add3A, %mul3A_66, %dma_wait3A_91] : memref<2x32x80x128xi32, #tpu.memory_space<hbm>> -> memref<1x1x40x128xi32, #tpu.memory_space<hbm>>
          %dma_wait3A_93 = tpu.memref_squeeze %dma_wait3A_92 : memref<1x1x40x128xi32, #tpu.memory_space<hbm>> -> memref<40x128xi32, #tpu.memory_space<hbm>>
          tpu.wait_dma2 semaphore(%run_scoped3A_82 : memref<!tpu.dma_semaphore, #tpu.memory_space<semaphore_mem>>) src(%dma_wait3A_93 : memref<40x128xi32, #tpu.memory_space<hbm>>) dst(%arg6 : memref<40x128xi32, #tpu.memory_space<vmem>>)
          tpu.yield
        }) : () -> ()
        %dma_start3A_68 = arith.constant 0 : i32
        %dma_start3A_69 = arith.constant 0 : i32
        %dma_start3A_70 = tpu.memref_slice %arg5[%dma_start3A_68, %dma_start3A_69] : memref<40x128xi32, #tpu.memory_space<vmem>> -> memref<1x128xi32, #tpu.memory_space<vmem>>
        %dma_start3A_71 = tpu.memref_squeeze %dma_start3A_70 : memref<1x128xi32, #tpu.memory_space<vmem>> -> memref<128xi32, #tpu.memory_space<vmem>>
        %dma_start3A_72 = arith.constant 0 : i32
        %dma_start3A_73 = arith.constant 0 : i32
        %dma_start3A_74 = tpu.memref_slice %arg2[%dma_start3A_72, %dma_start3A_73] : memref<10000x128xf32, #tpu.memory_space<hbm>> -> memref<10000x128xf32, #tpu.memory_space<hbm>>
        tpu.enqueue_indirect_dma source(%dma_start3A_74 : memref<10000x128xf32, #tpu.memory_space<hbm>>) target(%arg7 : memref<128x128xf32, #tpu.memory_space<vmem>>) offsets(%dma_start3A_71 : memref<128xi32, #tpu.memory_space<vmem>>) semaphore(%arg10 : memref<!tpu.dma_semaphore, #tpu.memory_space<semaphore_mem>>)
        %dma_start3A_75 = arith.constant 1 : i32
        %dma_start3A_76 = arith.constant 0 : i32
        %dma_start3A_77 = tpu.memref_slice %arg5[%dma_start3A_75, %dma_start3A_76] : memref<40x128xi32, #tpu.memory_space<vmem>> -> memref<1x128xi32, #tpu.memory_space<vmem>>
        %dma_start3A_78 = tpu.memref_squeeze %dma_start3A_77 : memref<1x128xi32, #tpu.memory_space<vmem>> -> memref<128xi32, #tpu.memory_space<vmem>>
        %dma_start3A_79 = arith.constant 0 : i32
        %dma_start3A_80 = arith.constant 0 : i32
        %dma_start3A_81 = tpu.memref_slice %arg2[%dma_start3A_79, %dma_start3A_80] : memref<10000x128xf32, #tpu.memory_space<hbm>> -> memref<10000x128xf32, #tpu.memory_space<hbm>>
        tpu.enqueue_indirect_dma source(%dma_start3A_81 : memref<10000x128xf32, #tpu.memory_space<hbm>>) target(%arg8 : memref<128x128xf32, #tpu.memory_space<vmem>>) offsets(%dma_start3A_78 : memref<128xi32, #tpu.memory_space<vmem>>) semaphore(%arg11 : memref<!tpu.dma_semaphore, #tpu.memory_space<semaphore_mem>>)
      } else {
      }
      %scan3A_57 = arith.constant 0 : i32
      %scan3A_58 = arith.constant 20 : i32
      %scan3A_59 = arith.addi %scan3A_57, %scan3A_58 : i32
      %scan3A_60 = arith.constant 1 : i32
      scf.for %scan3A_62 = %scan3A_57 to %scan3A_59 step %scan3A_60  : i32 {
        %mul3A_63 = arith.constant 1 : i32
        %mul3A_64 = arith.muli %scan3A_62, %mul3A_63 : i32
        %add3A_65 = arith.constant 0 : i32
        %add3A_66 = arith.addi %add3A_65, %mul3A_64 : i32
        %mul3A_67 = arith.constant 2 : i32
        %mul3A_68 = arith.muli %add3A_66, %mul3A_67 : i32
        %add3A_69 = arith.constant 0 : i32
        %add3A_70 = arith.addi %mul3A_68, %add3A_69 : i32
        %dma_wait3A = arith.constant 0 : i32
        %dma_wait3A_71 = tpu.memref_slice %arg5[%add3A_70, %dma_wait3A] : memref<40x128xi32, #tpu.memory_space<vmem>> -> memref<1x128xi32, #tpu.memory_space<vmem>>
        %dma_wait3A_72 = tpu.memref_squeeze %dma_wait3A_71 : memref<1x128xi32, #tpu.memory_space<vmem>> -> memref<128xi32, #tpu.memory_space<vmem>>
        %dma_wait3A_73 = arith.constant 0 : i32
        %dma_wait3A_74 = arith.constant 0 : i32
        %dma_wait3A_75 = tpu.memref_slice %arg2[%dma_wait3A_73, %dma_wait3A_74] : memref<10000x128xf32, #tpu.memory_space<hbm>> -> memref<10000x128xf32, #tpu.memory_space<hbm>>
        tpu.wait_indirect_dma semaphore(%arg10 : memref<!tpu.dma_semaphore, #tpu.memory_space<semaphore_mem>>) src(%dma_wait3A_75 : memref<10000x128xf32, #tpu.memory_space<hbm>>) dst(%arg7 : memref<128x128xf32, #tpu.memory_space<vmem>>)
        %add3A_76 = arith.constant 0 : i32
        %add3A_77 = arith.addi %mul3A_68, %add3A_76 : i32
        %dma_start3A_78 = arith.constant 0 : i32
        %dma_start3A_79 = tpu.memref_slice %arg6[%add3A_77, %dma_start3A_78] : memref<40x128xi32, #tpu.memory_space<vmem>> -> memref<1x128xi32, #tpu.memory_space<vmem>>
        %dma_start3A_80 = tpu.memref_squeeze %dma_start3A_79 : memref<1x128xi32, #tpu.memory_space<vmem>> -> memref<128xi32, #tpu.memory_space<vmem>>
        %dma_start3A_81 = arith.constant 0 : i32
        %dma_start3A_82 = arith.constant 0 : i32
        %dma_start3A_83 = tpu.memref_slice %arg9[%dma_start3A_81, %dma_start3A_82] : memref<10128x128xf32, #tpu.memory_space<vmem_shared>> -> memref<10128x128xf32, #tpu.memory_space<vmem_shared>>
        tpu.enqueue_indirect_dma source(%arg7 : memref<128x128xf32, #tpu.memory_space<vmem>>) target(%dma_start3A_83 : memref<10128x128xf32, #tpu.memory_space<vmem_shared>>) offsets(%dma_start3A_80 : memref<128xi32, #tpu.memory_space<vmem>>) semaphore(%arg12 : memref<!tpu.dma_semaphore, #tpu.memory_space<semaphore_mem>>) {add = true}
        %add3A_84 = arith.constant 1 : i32
        %add3A_85 = arith.addi %mul3A_68, %add3A_84 : i32
        %dma_wait3A_86 = arith.constant 0 : i32
        %dma_wait3A_87 = tpu.memref_slice %arg5[%add3A_85, %dma_wait3A_86] : memref<40x128xi32, #tpu.memory_space<vmem>> -> memref<1x128xi32, #tpu.memory_space<vmem>>
        %dma_wait3A_88 = tpu.memref_squeeze %dma_wait3A_87 : memref<1x128xi32, #tpu.memory_space<vmem>> -> memref<128xi32, #tpu.memory_space<vmem>>
        %dma_wait3A_89 = arith.constant 0 : i32
        %dma_wait3A_90 = arith.constant 0 : i32
        %dma_wait3A_91 = tpu.memref_slice %arg2[%dma_wait3A_89, %dma_wait3A_90] : memref<10000x128xf32, #tpu.memory_space<hbm>> -> memref<10000x128xf32, #tpu.memory_space<hbm>>
        tpu.wait_indirect_dma semaphore(%arg11 : memref<!tpu.dma_semaphore, #tpu.memory_space<semaphore_mem>>) src(%dma_wait3A_91 : memref<10000x128xf32, #tpu.memory_space<hbm>>) dst(%arg8 : memref<128x128xf32, #tpu.memory_space<vmem>>)
        %add3A_92 = arith.constant 1 : i32
        %add3A_93 = arith.addi %mul3A_68, %add3A_92 : i32
        %dma_start3A_94 = arith.constant 0 : i32
        %dma_start3A_95 = tpu.memref_slice %arg6[%add3A_93, %dma_start3A_94] : memref<40x128xi32, #tpu.memory_space<vmem>> -> memref<1x128xi32, #tpu.memory_space<vmem>>
        %dma_start3A_96 = tpu.memref_squeeze %dma_start3A_95 : memref<1x128xi32, #tpu.memory_space<vmem>> -> memref<128xi32, #tpu.memory_space<vmem>>
        %dma_start3A_97 = arith.constant 0 : i32
        %dma_start3A_98 = arith.constant 0 : i32
        %dma_start3A_99 = tpu.memref_slice %arg9[%dma_start3A_97, %dma_start3A_98] : memref<10128x128xf32, #tpu.memory_space<vmem_shared>> -> memref<10128x128xf32, #tpu.memory_space<vmem_shared>>
        tpu.enqueue_indirect_dma source(%arg8 : memref<128x128xf32, #tpu.memory_space<vmem>>) target(%dma_start3A_99 : memref<10128x128xf32, #tpu.memory_space<vmem_shared>>) offsets(%dma_start3A_96 : memref<128xi32, #tpu.memory_space<vmem>>) semaphore(%arg13 : memref<!tpu.dma_semaphore, #tpu.memory_space<semaphore_mem>>) {add = true}
        %add3A_100 = arith.constant 0 : i32
        %add3A_101 = arith.addi %mul3A_68, %add3A_100 : i32
        %dma_wait3A_102 = arith.constant 0 : i32
        %dma_wait3A_103 = tpu.memref_slice %arg6[%add3A_101, %dma_wait3A_102] : memref<40x128xi32, #tpu.memory_space<vmem>> -> memref<1x128xi32, #tpu.memory_space<vmem>>
        %dma_wait3A_104 = tpu.memref_squeeze %dma_wait3A_103 : memref<1x128xi32, #tpu.memory_space<vmem>> -> memref<128xi32, #tpu.memory_space<vmem>>
        %dma_wait3A_105 = arith.constant 0 : i32
        %dma_wait3A_106 = arith.constant 0 : i32
        %dma_wait3A_107 = tpu.memref_slice %arg9[%dma_wait3A_105, %dma_wait3A_106] : memref<10128x128xf32, #tpu.memory_space<vmem_shared>> -> memref<10128x128xf32, #tpu.memory_space<vmem_shared>>
        tpu.wait_indirect_dma semaphore(%arg12 : memref<!tpu.dma_semaphore, #tpu.memory_space<semaphore_mem>>) src(%arg7 : memref<128x128xf32, #tpu.memory_space<vmem>>) dst(%dma_wait3A_107 : memref<10128x128xf32, #tpu.memory_space<vmem_shared>>)
        %add3A_108 = arith.constant 0 : i32
        %add3A_109 = arith.addi %mul3A_68, %add3A_108 : i32
        %add3A_110 = arith.constant 2 : i32
        %add3A_111 = arith.addi %add3A_109, %add3A_110 : i32
        %lt3A_112 = arith.constant 40 : i32
        %lt3A_113 = arith.cmpi slt, %add3A_111, %lt3A_112 : i32
        %convert_element_type3A_114 = arith.extui %lt3A_113 : i1 to i32
        %cond3A_115 = arith.constant 0 : i32
        %cond3A_116 = arith.cmpi ne, %convert_element_type3A_114, %cond3A_115 : i32
        scf.if %cond3A_116 {
          %add3A_134 = arith.constant 0 : i32
          %add3A_135 = arith.addi %mul3A_68, %add3A_134 : i32
          %add3A_136 = arith.constant 2 : i32
          %add3A_137 = arith.addi %add3A_135, %add3A_136 : i32
          %dma_start3A_138 = arith.constant 0 : i32
          %dma_start3A_139 = tpu.memref_slice %arg5[%add3A_137, %dma_start3A_138] : memref<40x128xi32, #tpu.memory_space<vmem>> -> memref<1x128xi32, #tpu.memory_space<vmem>>
          %dma_start3A_140 = tpu.memref_squeeze %dma_start3A_139 : memref<1x128xi32, #tpu.memory_space<vmem>> -> memref<128xi32, #tpu.memory_space<vmem>>
          %dma_start3A_141 = arith.constant 0 : i32
          %dma_start3A_142 = arith.constant 0 : i32
          %dma_start3A_143 = tpu.memref_slice %arg2[%dma_start3A_141, %dma_start3A_142] : memref<10000x128xf32, #tpu.memory_space<hbm>> -> memref<10000x128xf32, #tpu.memory_space<hbm>>
          tpu.enqueue_indirect_dma source(%dma_start3A_143 : memref<10000x128xf32, #tpu.memory_space<hbm>>) target(%arg7 : memref<128x128xf32, #tpu.memory_space<vmem>>) offsets(%dma_start3A_140 : memref<128xi32, #tpu.memory_space<vmem>>) semaphore(%arg10 : memref<!tpu.dma_semaphore, #tpu.memory_space<semaphore_mem>>)
        } else {
        }
        %add3A_117 = arith.constant 1 : i32
        %add3A_118 = arith.addi %mul3A_68, %add3A_117 : i32
        %dma_wait3A_119 = arith.constant 0 : i32
        %dma_wait3A_120 = tpu.memref_slice %arg6[%add3A_118, %dma_wait3A_119] : memref<40x128xi32, #tpu.memory_space<vmem>> -> memref<1x128xi32, #tpu.memory_space<vmem>>
        %dma_wait3A_121 = tpu.memref_squeeze %dma_wait3A_120 : memref<1x128xi32, #tpu.memory_space<vmem>> -> memref<128xi32, #tpu.memory_space<vmem>>
        %dma_wait3A_122 = arith.constant 0 : i32
        %dma_wait3A_123 = arith.constant 0 : i32
        %dma_wait3A_124 = tpu.memref_slice %arg9[%dma_wait3A_122, %dma_wait3A_123] : memref<10128x128xf32, #tpu.memory_space<vmem_shared>> -> memref<10128x128xf32, #tpu.memory_space<vmem_shared>>
        tpu.wait_indirect_dma semaphore(%arg13 : memref<!tpu.dma_semaphore, #tpu.memory_space<semaphore_mem>>) src(%arg8 : memref<128x128xf32, #tpu.memory_space<vmem>>) dst(%dma_wait3A_124 : memref<10128x128xf32, #tpu.memory_space<vmem_shared>>)
        %add3A_125 = arith.constant 1 : i32
        %add3A_126 = arith.addi %mul3A_68, %add3A_125 : i32
        %add3A_127 = arith.constant 2 : i32
        %add3A_128 = arith.addi %add3A_126, %add3A_127 : i32
        %lt3A_129 = arith.constant 40 : i32
        %lt3A_130 = arith.cmpi slt, %add3A_128, %lt3A_129 : i32
        %convert_element_type3A_131 = arith.extui %lt3A_130 : i1 to i32
        %cond3A_132 = arith.constant 0 : i32
        %cond3A_133 = arith.cmpi ne, %convert_element_type3A_131, %cond3A_132 : i32
        scf.if %cond3A_133 {
          %add3A_134 = arith.constant 1 : i32
          %add3A_135 = arith.addi %mul3A_68, %add3A_134 : i32
          %add3A_136 = arith.constant 2 : i32
          %add3A_137 = arith.addi %add3A_135, %add3A_136 : i32
          %dma_start3A_138 = arith.constant 0 : i32
          %dma_start3A_139 = tpu.memref_slice %arg5[%add3A_137, %dma_start3A_138] : memref<40x128xi32, #tpu.memory_space<vmem>> -> memref<1x128xi32, #tpu.memory_space<vmem>>
          %dma_start3A_140 = tpu.memref_squeeze %dma_start3A_139 : memref<1x128xi32, #tpu.memory_space<vmem>> -> memref<128xi32, #tpu.memory_space<vmem>>
          %dma_start3A_141 = arith.constant 0 : i32
          %dma_start3A_142 = arith.constant 0 : i32
          %dma_start3A_143 = tpu.memref_slice %arg2[%dma_start3A_141, %dma_start3A_142] : memref<10000x128xf32, #tpu.memory_space<hbm>> -> memref<10000x128xf32, #tpu.memory_space<hbm>>
          tpu.enqueue_indirect_dma source(%dma_start3A_143 : memref<10000x128xf32, #tpu.memory_space<hbm>>) target(%arg8 : memref<128x128xf32, #tpu.memory_space<vmem>>) offsets(%dma_start3A_140 : memref<128xi32, #tpu.memory_space<vmem>>) semaphore(%arg11 : memref<!tpu.dma_semaphore, #tpu.memory_space<semaphore_mem>>)
        } else {
        }
      }
      %scan3A_61 = arith.constant 20 : i32
    }
    %scan3A_36 = arith.constant 2 : i32
    %barrier3A_37 = arith.constant 0 : index
    tpu.barrier barrier_id(%barrier3A_37)
    %lt3A_38 = arith.constant 15 : i32
    %lt3A_39 = arith.cmpi slt, %arg1, %lt3A_38 : i32
    %convert_element_type3A_40 = arith.extui %lt3A_39 : i1 to i32
    %cond3A_41 = arith.constant 0 : i32
    %cond3A_42 = arith.cmpi ne, %convert_element_type3A_40, %cond3A_41 : i32
    scf.if %cond3A_42 {
      %mul3A_48 = arith.constant 10000 : i32
      %mul3A_49 = arith.muli %arg0, %mul3A_48 : i32
      %add3A_50 = arith.addi %mul3A_49, %mul3A_2 : i32
      "tpu.region"() ({
        %run_scoped3A_51 = tpu.sem_alloc : memref<!tpu.dma_semaphore, #tpu.memory_space<semaphore_mem>>
        %dma_start3A_52 = arith.constant 0 : i32
        %dma_start3A_53 = tpu.memref_slice %arg4[%add3A_50, %dma_start3A_52] : memref<20000x128xf32, #tpu.memory_space<hbm>> -> memref<632x128xf32, #tpu.memory_space<hbm>>
        %dma_start3A_54 = arith.constant 0 : i32
        %dma_start3A_55 = tpu.memref_slice %arg9[%mul3A_2, %dma_start3A_54] : memref<10128x128xf32, #tpu.memory_space<vmem_shared>> -> memref<632x128xf32, #tpu.memory_space<vmem_shared>>
        tpu.enqueue_dma source(%dma_start3A_55 : memref<632x128xf32, #tpu.memory_space<vmem_shared>>) target(%dma_start3A_53 : memref<632x128xf32, #tpu.memory_space<hbm>>) target_semaphore(%run_scoped3A_51 : memref<!tpu.dma_semaphore, #tpu.memory_space<semaphore_mem>>)
        %dma_wait3A = arith.constant 0 : i32
        %dma_wait3A_56 = tpu.memref_slice %arg4[%add3A_50, %dma_wait3A] : memref<20000x128xf32, #tpu.memory_space<hbm>> -> memref<632x128xf32, #tpu.memory_space<hbm>>
        %dma_wait3A_57 = arith.constant 0 : i32
        %dma_wait3A_58 = tpu.memref_slice %arg9[%mul3A_2, %dma_wait3A_57] : memref<10128x128xf32, #tpu.memory_space<vmem_shared>> -> memref<632x128xf32, #tpu.memory_space<vmem_shared>>
        tpu.wait_dma2 semaphore(%run_scoped3A_51 : memref<!tpu.dma_semaphore, #tpu.memory_space<semaphore_mem>>) src(%dma_wait3A_58 : memref<632x128xf32, #tpu.memory_space<vmem_shared>>) dst(%dma_wait3A_56 : memref<632x128xf32, #tpu.memory_space<hbm>>)
        tpu.yield
      }) : () -> ()
    } else {
    }
    %eq3A_43 = arith.constant 15 : i32
    %eq3A_44 = arith.cmpi eq, %arg1, %eq3A_43 : i32
    %convert_element_type3A_45 = arith.extui %eq3A_44 : i1 to i32
    %cond3A_46 = arith.constant 0 : i32
    %cond3A_47 = arith.cmpi ne, %convert_element_type3A_45, %cond3A_46 : i32
    scf.if %cond3A_47 {
      %mul3A_48 = arith.constant 10000 : i32
      %mul3A_49 = arith.muli %arg0, %mul3A_48 : i32
      %add3A_50 = arith.addi %mul3A_49, %mul3A_2 : i32
      "tpu.region"() ({
        %run_scoped3A_51 = tpu.sem_alloc : memref<!tpu.dma_semaphore, #tpu.memory_space<semaphore_mem>>
        %dma_start3A_52 = arith.constant 0 : i32
        %dma_start3A_53 = tpu.memref_slice %arg4[%add3A_50, %dma_start3A_52] : memref<20000x128xf32, #tpu.memory_space<hbm>> -> memref<520x128xf32, #tpu.memory_space<hbm>>
        %dma_start3A_54 = arith.constant 0 : i32
        %dma_start3A_55 = tpu.memref_slice %arg9[%mul3A_2, %dma_start3A_54] : memref<10128x128xf32, #tpu.memory_space<vmem_shared>> -> memref<520x128xf32, #tpu.memory_space<vmem_shared>>
        tpu.enqueue_dma source(%dma_start3A_55 : memref<520x128xf32, #tpu.memory_space<vmem_shared>>) target(%dma_start3A_53 : memref<520x128xf32, #tpu.memory_space<hbm>>) target_semaphore(%run_scoped3A_51 : memref<!tpu.dma_semaphore, #tpu.memory_space<semaphore_mem>>)
        %dma_wait3A = arith.constant 0 : i32
        %dma_wait3A_56 = tpu.memref_slice %arg4[%add3A_50, %dma_wait3A] : memref<20000x128xf32, #tpu.memory_space<hbm>> -> memref<520x128xf32, #tpu.memory_space<hbm>>
        %dma_wait3A_57 = arith.constant 0 : i32
        %dma_wait3A_58 = tpu.memref_slice %arg9[%mul3A_2, %dma_wait3A_57] : memref<10128x128xf32, #tpu.memory_space<vmem_shared>> -> memref<520x128xf32, #tpu.memory_space<vmem_shared>>
        tpu.wait_dma2 semaphore(%run_scoped3A_51 : memref<!tpu.dma_semaphore, #tpu.memory_space<semaphore_mem>>) src(%dma_wait3A_58 : memref<520x128xf32, #tpu.memory_space<vmem_shared>>) dst(%dma_wait3A_56 : memref<520x128xf32, #tpu.memory_space<hbm>>)
        tpu.yield
      }) : () -> ()
    } else {
    }
    return
  }
}

module attributes {stable_mosaic.version = 14 : i64} {
  func.func @body(%arg0: i32, %arg1: memref<2000x128xf32, #tpu.memory_space<vmem>>, %arg2: memref<2000x128xf32, #tpu.memory_space<vmem>>, %arg3: memref<2000x128xf32, #tpu.memory_space<vmem>>, %arg4: memref<128x256xf32, #tpu.memory_space<vmem>>, %arg5: memref<1x256xf32, #tpu.memory_space<vmem>>, %arg6: memref<256x256xf32, #tpu.memory_space<vmem>>, %arg7: memref<1x256xf32, #tpu.memory_space<vmem>>, %arg8: memref<256x128xf32, #tpu.memory_space<vmem>>, %arg9: memref<1x128xf32, #tpu.memory_space<vmem>>, %arg10: memref<2000x128xf32, #tpu.memory_space<vmem>>) attributes {dimension_semantics = [#tpu.dimension_semantics<arbitrary>], iteration_bounds = array<i64: 5>, scalar_prefetch = 0 : i64, scratch_operands = 0 : i64, tpu.core_type = #tpu.core_type<tc>, window_params = [{transform_indices = @transform_0, window_bounds = array<i64: 2000, 128>}, {transform_indices = @transform_1, window_bounds = array<i64: 2000, 128>}, {transform_indices = @transform_2, window_bounds = array<i64: 2000, 128>}, {pipeline_mode = #tpu.pipeline_mode<synchronous>, transform_indices = @transform_3, window_bounds = array<i64: 128, 256>}, {pipeline_mode = #tpu.pipeline_mode<synchronous>, transform_indices = @transform_4, window_bounds = array<i64: 1, 256>}, {pipeline_mode = #tpu.pipeline_mode<synchronous>, transform_indices = @transform_5, window_bounds = array<i64: 256, 256>}, {pipeline_mode = #tpu.pipeline_mode<synchronous>, transform_indices = @transform_6, window_bounds = array<i64: 1, 256>}, {pipeline_mode = #tpu.pipeline_mode<synchronous>, transform_indices = @transform_7, window_bounds = array<i64: 256, 128>}, {pipeline_mode = #tpu.pipeline_mode<synchronous>, transform_indices = @transform_8, window_bounds = array<i64: 1, 128>}, {transform_indices = @transform_9, window_bounds = array<i64: 2000, 128>}]} {
    %get3A = arith.constant 0 : index
    %get3A_0 = arith.constant 0 : index
    %get3A_1 = vector.load %arg1[%get3A, %get3A_0] : memref<2000x128xf32, #tpu.memory_space<vmem>>, vector<2000x128xf32>
    %get3A_2 = arith.constant 0 : index
    %get3A_3 = arith.constant 0 : index
    %get3A_4 = vector.load %arg2[%get3A_2, %get3A_3] : memref<2000x128xf32, #tpu.memory_space<vmem>>, vector<2000x128xf32>
    %add3A = arith.addf %get3A_1, %get3A_4 : vector<2000x128xf32>
    %get3A_5 = arith.constant 0 : index
    %get3A_6 = arith.constant 0 : index
    %get3A_7 = vector.load %arg3[%get3A_5, %get3A_6] : memref<2000x128xf32, #tpu.memory_space<vmem>>, vector<2000x128xf32>
    %sub3A = arith.subf %add3A, %get3A_7 : vector<2000x128xf32>
    %get3A_8 = arith.constant 0 : index
    %get3A_9 = arith.constant 0 : index
    %get3A_10 = vector.load %arg4[%get3A_8, %get3A_9] : memref<128x256xf32, #tpu.memory_space<vmem>>, vector<128x256xf32>
    %get3A_11 = arith.constant 0 : index
    %get3A_12 = arith.constant 0 : index
    %get3A_13 = vector.load %arg5[%get3A_11, %get3A_12] : memref<1x256xf32, #tpu.memory_space<vmem>>, vector<1x256xf32>
    %get3A_14 = arith.constant 0 : index
    %get3A_15 = arith.constant 0 : index
    %get3A_16 = vector.load %arg6[%get3A_14, %get3A_15] : memref<256x256xf32, #tpu.memory_space<vmem>>, vector<256x256xf32>
    %get3A_17 = arith.constant 0 : index
    %get3A_18 = arith.constant 0 : index
    %get3A_19 = vector.load %arg7[%get3A_17, %get3A_18] : memref<1x256xf32, #tpu.memory_space<vmem>>, vector<1x256xf32>
    %get3A_20 = arith.constant 0 : index
    %get3A_21 = arith.constant 0 : index
    %get3A_22 = vector.load %arg8[%get3A_20, %get3A_21] : memref<256x128xf32, #tpu.memory_space<vmem>>, vector<256x128xf32>
    %get3A_23 = arith.constant 0 : index
    %get3A_24 = arith.constant 0 : index
    %get3A_25 = vector.load %arg9[%get3A_23, %get3A_24] : memref<1x128xf32, #tpu.memory_space<vmem>>, vector<1x128xf32>
    %dot_general3A = arith.constant dense<0.000000e+00> : vector<2000x256xf32>
    %dot_general3A_26 = tpu.matmul %sub3A, %get3A_10, %dot_general3A {dimension_numbers = #tpu.dot_dimension_numbers<[1], [0], [0], [1], [0, 0, 1, 1], [], []>, transpose_lhs_hint = false} : vector<2000x128xf32>, vector<128x256xf32>, vector<2000x256xf32> -> vector<2000x256xf32>
    %add3A_27 = vector.broadcast %get3A_13 : vector<1x256xf32> to vector<2000x256xf32>
    %add3A_28 = arith.addf %dot_general3A_26, %add3A_27 : vector<2000x256xf32>
    %tanh3A = math.tanh %add3A_28 : vector<2000x256xf32>
    %dot_general3A_29 = arith.constant dense<0.000000e+00> : vector<2000x256xf32>
    %dot_general3A_30 = tpu.matmul %tanh3A, %get3A_16, %dot_general3A_29 {dimension_numbers = #tpu.dot_dimension_numbers<[1], [0], [0], [1], [0, 0, 1, 1], [], []>, transpose_lhs_hint = false} : vector<2000x256xf32>, vector<256x256xf32>, vector<2000x256xf32> -> vector<2000x256xf32>
    %add3A_31 = vector.broadcast %get3A_19 : vector<1x256xf32> to vector<2000x256xf32>
    %add3A_32 = arith.addf %dot_general3A_30, %add3A_31 : vector<2000x256xf32>
    %tanh3A_33 = math.tanh %add3A_32 : vector<2000x256xf32>
    %dot_general3A_34 = arith.constant dense<0.000000e+00> : vector<2000x128xf32>
    %dot_general3A_35 = tpu.matmul %tanh3A_33, %get3A_22, %dot_general3A_34 {dimension_numbers = #tpu.dot_dimension_numbers<[1], [0], [0], [1], [0, 0, 1, 1], [], []>, transpose_lhs_hint = false} : vector<2000x256xf32>, vector<256x128xf32>, vector<2000x128xf32> -> vector<2000x128xf32>
    %add3A_36 = vector.broadcast %get3A_25 : vector<1x128xf32> to vector<2000x128xf32>
    %add3A_37 = arith.addf %dot_general3A_35, %add3A_36 : vector<2000x128xf32>
    %tanh3A_38 = math.tanh %add3A_37 : vector<2000x128xf32>
    %tanh3A_39 = math.tanh %tanh3A_38 : vector<2000x128xf32>
    %swap3A = arith.constant 0 : index
    %swap3A_40 = arith.constant 0 : index
    %swap3A_41 = vector.load %arg10[%swap3A, %swap3A_40] : memref<2000x128xf32, #tpu.memory_space<vmem>>, vector<2000x128xf32>
    tpu.vector_store %arg10[%swap3A, %swap3A_40], %tanh3A_39 {strides = array<i32>} : memref<2000x128xf32, #tpu.memory_space<vmem>>, vector<2000x128xf32>,
    return
  }
  func.func @transform_0(%arg0: i32) -> (i32, i32) {
    %c0_i32 = arith.constant 0 : i32
    %c0_i32_0 = arith.constant 0 : i32
    return %arg0, %c0_i32 : i32, i32
  }
  func.func @transform_1(%arg0: i32) -> (i32, i32) {
    %add3A = arith.constant 5 : i32
    %add3A_0 = arith.addi %arg0, %add3A : i32
    %c0_i32 = arith.constant 0 : i32
    %c0_i32_1 = arith.constant 0 : i32
    return %add3A_0, %c0_i32 : i32, i32
  }
  func.func @transform_2(%arg0: i32) -> (i32, i32) {
    %c0_i32 = arith.constant 0 : i32
    %c0_i32_0 = arith.constant 0 : i32
    return %arg0, %c0_i32 : i32, i32
  }
  func.func @transform_3(%arg0: i32) -> (i32, i32) {
    %c0_i32 = arith.constant 0 : i32
    %c0_i32_0 = arith.constant 0 : i32
    %c0_i32_1 = arith.constant 0 : i32
    return %c0_i32, %c0_i32_0 : i32, i32
  }
  func.func @transform_4(%arg0: i32) -> (i32, i32) {
    %c0_i32 = arith.constant 0 : i32
    %c0_i32_0 = arith.constant 0 : i32
    %c0_i32_1 = arith.constant 0 : i32
    return %c0_i32, %c0_i32_0 : i32, i32
  }
  func.func @transform_5(%arg0: i32) -> (i32, i32) {
    %c0_i32 = arith.constant 0 : i32
    %c0_i32_0 = arith.constant 0 : i32
    %c0_i32_1 = arith.constant 0 : i32
    return %c0_i32, %c0_i32_0 : i32, i32
  }
  func.func @transform_6(%arg0: i32) -> (i32, i32) {
    %c0_i32 = arith.constant 0 : i32
    %c0_i32_0 = arith.constant 0 : i32
    %c0_i32_1 = arith.constant 0 : i32
    return %c0_i32, %c0_i32_0 : i32, i32
  }
  func.func @transform_7(%arg0: i32) -> (i32, i32) {
    %c0_i32 = arith.constant 0 : i32
    %c0_i32_0 = arith.constant 0 : i32
    %c0_i32_1 = arith.constant 0 : i32
    return %c0_i32, %c0_i32_0 : i32, i32
  }
  func.func @transform_8(%arg0: i32) -> (i32, i32) {
    %c0_i32 = arith.constant 0 : i32
    %c0_i32_0 = arith.constant 0 : i32
    %c0_i32_1 = arith.constant 0 : i32
    return %c0_i32, %c0_i32_0 : i32, i32
  }
  func.func @transform_9(%arg0: i32) -> (i32, i32) {
    %c0_i32 = arith.constant 0 : i32
    %c0_i32_0 = arith.constant 0 : i32
    return %arg0, %c0_i32 : i32, i32
  }
}

module attributes {stable_mosaic.version = 14 : i64} {
  func.func @body(%arg0: i32, %arg1: memref<2000x128xf32, #tpu.memory_space<vmem>>, %arg2: memref<2000x128xf32, #tpu.memory_space<vmem>>, %arg3: memref<2000x128xf32, #tpu.memory_space<vmem>>, %arg4: memref<128x256xf32, #tpu.memory_space<vmem>>, %arg5: memref<1x256xf32, #tpu.memory_space<vmem>>, %arg6: memref<256x256xf32, #tpu.memory_space<vmem>>, %arg7: memref<1x256xf32, #tpu.memory_space<vmem>>, %arg8: memref<256x128xf32, #tpu.memory_space<vmem>>, %arg9: memref<1x128xf32, #tpu.memory_space<vmem>>, %arg10: memref<1x1x2000xi32, #tpu.memory_space<vmem>>, %arg11: memref<64x128xf32, #tpu.memory_space<vmem>>, %arg12: memref<64x128xf32, #tpu.memory_space<vmem>>, %arg13: memref<64x128xf32, #tpu.memory_space<vmem>>) attributes {dimension_semantics = [#tpu.dimension_semantics<arbitrary>], iteration_bounds = array<i64: 5>, scalar_prefetch = 0 : i64, scratch_operands = 2 : i64, tpu.core_type = #tpu.core_type<tc>, window_params = [{transform_indices = @transform_0, window_bounds = array<i64: 2000, 128>}, {transform_indices = @transform_1, window_bounds = array<i64: 2000, 128>}, {transform_indices = @transform_2, window_bounds = array<i64: 2000, 128>}, {pipeline_mode = #tpu.pipeline_mode<synchronous>, transform_indices = @transform_3, window_bounds = array<i64: 128, 256>}, {pipeline_mode = #tpu.pipeline_mode<synchronous>, transform_indices = @transform_4, window_bounds = array<i64: 1, 256>}, {pipeline_mode = #tpu.pipeline_mode<synchronous>, transform_indices = @transform_5, window_bounds = array<i64: 256, 256>}, {pipeline_mode = #tpu.pipeline_mode<synchronous>, transform_indices = @transform_6, window_bounds = array<i64: 1, 256>}, {pipeline_mode = #tpu.pipeline_mode<synchronous>, transform_indices = @transform_7, window_bounds = array<i64: 256, 128>}, {pipeline_mode = #tpu.pipeline_mode<synchronous>, transform_indices = @transform_8, window_bounds = array<i64: 1, 128>}, {transform_indices = @transform_9, window_bounds = array<i64: 1, 1, 2000>}, {pipeline_mode = #tpu.pipeline_mode<synchronous>, transform_indices = @transform_10, window_bounds = array<i64: 64, 128>}]} {
    %eq3A = arith.constant 0 : i32
    %eq3A_0 = arith.cmpi eq, %arg0, %eq3A : i32
    %convert_element_type3A = arith.extui %eq3A_0 : i1 to i32
    %cond3A = arith.constant 0 : i32
    %cond3A_1 = arith.cmpi ne, %convert_element_type3A, %cond3A : i32
    scf.if %cond3A_1 {
      %broadcast_in_dim3A_74 = arith.constant 0.000000e+00 : f32
      %broadcast_in_dim3A_75 = vector.broadcast %broadcast_in_dim3A_74 : f32 to vector<64x128xf32>
      %swap3A_76 = arith.constant 0 : index
      %swap3A_77 = arith.constant 0 : index
      %swap3A_78 = vector.load %arg12[%swap3A_76, %swap3A_77] : memref<64x128xf32, #tpu.memory_space<vmem>>, vector<64x128xf32>
      tpu.vector_store %arg12[%swap3A_76, %swap3A_77], %broadcast_in_dim3A_75 {strides = array<i32>} : memref<64x128xf32, #tpu.memory_space<vmem>>, vector<64x128xf32>,
      %broadcast_in_dim3A_79 = arith.constant 0.000000e+00 : f32
      %broadcast_in_dim3A_80 = vector.broadcast %broadcast_in_dim3A_79 : f32 to vector<64x128xf32>
      %swap3A_81 = arith.constant 0 : index
      %swap3A_82 = arith.constant 0 : index
      %swap3A_83 = vector.load %arg13[%swap3A_81, %swap3A_82] : memref<64x128xf32, #tpu.memory_space<vmem>>, vector<64x128xf32>
      tpu.vector_store %arg13[%swap3A_81, %swap3A_82], %broadcast_in_dim3A_80 {strides = array<i32>} : memref<64x128xf32, #tpu.memory_space<vmem>>, vector<64x128xf32>,
    } else {
    }
    %get3A = arith.constant 0 : index
    %get3A_2 = arith.constant 0 : index
    %get3A_3 = vector.load %arg1[%get3A, %get3A_2] : memref<2000x128xf32, #tpu.memory_space<vmem>>, vector<2000x128xf32>
    %get3A_4 = arith.constant 0 : index
    %get3A_5 = arith.constant 0 : index
    %get3A_6 = vector.load %arg2[%get3A_4, %get3A_5] : memref<2000x128xf32, #tpu.memory_space<vmem>>, vector<2000x128xf32>
    %add3A = arith.addf %get3A_3, %get3A_6 : vector<2000x128xf32>
    %get3A_7 = arith.constant 0 : index
    %get3A_8 = arith.constant 0 : index
    %get3A_9 = vector.load %arg3[%get3A_7, %get3A_8] : memref<2000x128xf32, #tpu.memory_space<vmem>>, vector<2000x128xf32>
    %sub3A = arith.subf %add3A, %get3A_9 : vector<2000x128xf32>
    %get3A_10 = arith.constant 0 : index
    %get3A_11 = arith.constant 0 : index
    %get3A_12 = vector.load %arg4[%get3A_10, %get3A_11] : memref<128x256xf32, #tpu.memory_space<vmem>>, vector<128x256xf32>
    %get3A_13 = arith.constant 0 : index
    %get3A_14 = arith.constant 0 : index
    %get3A_15 = vector.load %arg5[%get3A_13, %get3A_14] : memref<1x256xf32, #tpu.memory_space<vmem>>, vector<1x256xf32>
    %get3A_16 = arith.constant 0 : index
    %get3A_17 = arith.constant 0 : index
    %get3A_18 = vector.load %arg6[%get3A_16, %get3A_17] : memref<256x256xf32, #tpu.memory_space<vmem>>, vector<256x256xf32>
    %get3A_19 = arith.constant 0 : index
    %get3A_20 = arith.constant 0 : index
    %get3A_21 = vector.load %arg7[%get3A_19, %get3A_20] : memref<1x256xf32, #tpu.memory_space<vmem>>, vector<1x256xf32>
    %get3A_22 = arith.constant 0 : index
    %get3A_23 = arith.constant 0 : index
    %get3A_24 = vector.load %arg8[%get3A_22, %get3A_23] : memref<256x128xf32, #tpu.memory_space<vmem>>, vector<256x128xf32>
    %get3A_25 = arith.constant 0 : index
    %get3A_26 = arith.constant 0 : index
    %get3A_27 = vector.load %arg9[%get3A_25, %get3A_26] : memref<1x128xf32, #tpu.memory_space<vmem>>, vector<1x128xf32>
    %dot_general3A = arith.constant dense<0.000000e+00> : vector<2000x256xf32>
    %dot_general3A_28 = tpu.matmul %sub3A, %get3A_12, %dot_general3A {dimension_numbers = #tpu.dot_dimension_numbers<[1], [0], [0], [1], [0, 0, 1, 1], [], []>, transpose_lhs_hint = false} : vector<2000x128xf32>, vector<128x256xf32>, vector<2000x256xf32> -> vector<2000x256xf32>
    %add3A_29 = vector.broadcast %get3A_15 : vector<1x256xf32> to vector<2000x256xf32>
    %add3A_30 = arith.addf %dot_general3A_28, %add3A_29 : vector<2000x256xf32>
    %tanh3A = math.tanh %add3A_30 : vector<2000x256xf32>
    %dot_general3A_31 = arith.constant dense<0.000000e+00> : vector<2000x256xf32>
    %dot_general3A_32 = tpu.matmul %tanh3A, %get3A_18, %dot_general3A_31 {dimension_numbers = #tpu.dot_dimension_numbers<[1], [0], [0], [1], [0, 0, 1, 1], [], []>, transpose_lhs_hint = false} : vector<2000x256xf32>, vector<256x256xf32>, vector<2000x256xf32> -> vector<2000x256xf32>
    %add3A_33 = vector.broadcast %get3A_21 : vector<1x256xf32> to vector<2000x256xf32>
    %add3A_34 = arith.addf %dot_general3A_32, %add3A_33 : vector<2000x256xf32>
    %tanh3A_35 = math.tanh %add3A_34 : vector<2000x256xf32>
    %dot_general3A_36 = arith.constant dense<0.000000e+00> : vector<2000x128xf32>
    %dot_general3A_37 = tpu.matmul %tanh3A_35, %get3A_24, %dot_general3A_36 {dimension_numbers = #tpu.dot_dimension_numbers<[1], [0], [0], [1], [0, 0, 1, 1], [], []>, transpose_lhs_hint = false} : vector<2000x256xf32>, vector<256x128xf32>, vector<2000x128xf32> -> vector<2000x128xf32>
    %add3A_38 = vector.broadcast %get3A_27 : vector<1x128xf32> to vector<2000x128xf32>
    %add3A_39 = arith.addf %dot_general3A_37, %add3A_38 : vector<2000x128xf32>
    %tanh3A_40 = math.tanh %add3A_39 : vector<2000x128xf32>
    %tanh3A_41 = math.tanh %tanh3A_40 : vector<2000x128xf32>
    %iota3A = tpu.iota {dimensions = array<i32: 0>} : vector<64x2000xi32>
    %get3A_42 = arith.constant 0 : index
    %get3A_43 = arith.constant 0 : index
    %get3A_44 = arith.constant 0 : index
    %get3A_45 = vector.load %arg10[%get3A_42, %get3A_43, %get3A_44] : memref<1x1x2000xi32, #tpu.memory_space<vmem>>, vector<1x1x2000xi32>
    %get3A_46 = vector.shape_cast %get3A_45 : vector<1x1x2000xi32> to vector<1x2000xi32>
    %eq3A_47 = vector.broadcast %get3A_46 : vector<1x2000xi32> to vector<64x2000xi32>
    %eq3A_48 = arith.cmpi eq, %iota3A, %eq3A_47 : vector<64x2000xi32>
    %convert_element_type3A_49 = arith.extui %eq3A_48 : vector<64x2000xi1> to vector<64x2000xi32>
    %convert_element_type3A_50 = arith.sitofp %convert_element_type3A_49 : vector<64x2000xi32> to vector<64x2000xf32>
    %get3A_51 = arith.constant 0 : index
    %get3A_52 = arith.constant 0 : index
    %get3A_53 = vector.load %arg12[%get3A_51, %get3A_52] : memref<64x128xf32, #tpu.memory_space<vmem>>, vector<64x128xf32>
    %dot_general3A_54 = arith.constant dense<0.000000e+00> : vector<64x128xf32>
    %dot_general3A_55 = tpu.matmul %convert_element_type3A_50, %tanh3A_41, %dot_general3A_54 {dimension_numbers = #tpu.dot_dimension_numbers<[1], [0], [0], [1], [0, 0, 1, 1], [], []>, precision = #tpu.contract_precision<fp32>, transpose_lhs_hint = false} : vector<64x2000xf32>, vector<2000x128xf32>, vector<64x128xf32> -> vector<64x128xf32>
    %add3A_56 = arith.addf %get3A_53, %dot_general3A_55 : vector<64x128xf32>
    %swap3A = arith.constant 0 : index
    %swap3A_57 = arith.constant 0 : index
    %swap3A_58 = vector.load %arg12[%swap3A, %swap3A_57] : memref<64x128xf32, #tpu.memory_space<vmem>>, vector<64x128xf32>
    tpu.vector_store %arg12[%swap3A, %swap3A_57], %add3A_56 {strides = array<i32>} : memref<64x128xf32, #tpu.memory_space<vmem>>, vector<64x128xf32>,
    %reduce_sum3A = arith.constant dense<0.000000e+00> : vector<64xf32>
    %reduce_sum3A_59 = vector.multi_reduction <add>, %convert_element_type3A_50, %reduce_sum3A [1] : vector<64x2000xf32> to vector<64xf32>
    %broadcast_in_dim3A = vector.shape_cast %reduce_sum3A_59 : vector<64xf32> to vector<64x1xf32>
    %get3A_60 = arith.constant 0 : index
    %get3A_61 = arith.constant 0 : index
    %get3A_62 = vector.load %arg13[%get3A_60, %get3A_61] : memref<64x128xf32, #tpu.memory_space<vmem>>, vector<64x128xf32>
    %broadcast_in_dim3A_63 = vector.shape_cast %broadcast_in_dim3A : vector<64x1xf32> to vector<64x1xf32>
    %broadcast_in_dim3A_64 = vector.broadcast %broadcast_in_dim3A_63 : vector<64x1xf32> to vector<64x128xf32>
    %add3A_65 = arith.addf %get3A_62, %broadcast_in_dim3A_64 : vector<64x128xf32>
    %swap3A_66 = arith.constant 0 : index
    %swap3A_67 = arith.constant 0 : index
    %swap3A_68 = vector.load %arg13[%swap3A_66, %swap3A_67] : memref<64x128xf32, #tpu.memory_space<vmem>>, vector<64x128xf32>
    tpu.vector_store %arg13[%swap3A_66, %swap3A_67], %add3A_65 {strides = array<i32>} : memref<64x128xf32, #tpu.memory_space<vmem>>, vector<64x128xf32>,
    %eq3A_69 = arith.constant 4 : i32
    %eq3A_70 = arith.cmpi eq, %arg0, %eq3A_69 : i32
    %convert_element_type3A_71 = arith.extui %eq3A_70 : i1 to i32
    %cond3A_72 = arith.constant 0 : i32
    %cond3A_73 = arith.cmpi ne, %convert_element_type3A_71, %cond3A_72 : i32
    scf.if %cond3A_73 {
      %get3A_74 = arith.constant 0 : index
      %get3A_75 = arith.constant 0 : index
      %get3A_76 = vector.load %arg12[%get3A_74, %get3A_75] : memref<64x128xf32, #tpu.memory_space<vmem>>, vector<64x128xf32>
      %get3A_77 = arith.constant 0 : index
      %get3A_78 = arith.constant 0 : index
      %get3A_79 = vector.load %arg13[%get3A_77, %get3A_78] : memref<64x128xf32, #tpu.memory_space<vmem>>, vector<64x128xf32>
      %max3A = arith.constant 1.000000e+00 : f32
      %max3A_80 = vector.broadcast %max3A : f32 to vector<64x128xf32>
      %max3A_81 = arith.maximumf %get3A_79, %max3A_80 : vector<64x128xf32>
      %div3A = arith.divf %get3A_76, %max3A_81 : vector<64x128xf32>
      %swap3A_82 = arith.constant 0 : index
      %swap3A_83 = arith.constant 0 : index
      %swap3A_84 = vector.load %arg11[%swap3A_82, %swap3A_83] : memref<64x128xf32, #tpu.memory_space<vmem>>, vector<64x128xf32>
      tpu.vector_store %arg11[%swap3A_82, %swap3A_83], %div3A {strides = array<i32>} : memref<64x128xf32, #tpu.memory_space<vmem>>, vector<64x128xf32>,
    } else {
    }
    return
  }
  func.func @transform_0(%arg0: i32) -> (i32, i32) {
    %c0_i32 = arith.constant 0 : i32
    %c0_i32_0 = arith.constant 0 : i32
    return %arg0, %c0_i32 : i32, i32
  }
  func.func @transform_1(%arg0: i32) -> (i32, i32) {
    %add3A = arith.constant 5 : i32
    %add3A_0 = arith.addi %arg0, %add3A : i32
    %c0_i32 = arith.constant 0 : i32
    %c0_i32_1 = arith.constant 0 : i32
    return %add3A_0, %c0_i32 : i32, i32
  }
  func.func @transform_2(%arg0: i32) -> (i32, i32) {
    %c0_i32 = arith.constant 0 : i32
    %c0_i32_0 = arith.constant 0 : i32
    return %arg0, %c0_i32 : i32, i32
  }
  func.func @transform_3(%arg0: i32) -> (i32, i32) {
    %c0_i32 = arith.constant 0 : i32
    %c0_i32_0 = arith.constant 0 : i32
    %c0_i32_1 = arith.constant 0 : i32
    return %c0_i32, %c0_i32_0 : i32, i32
  }
  func.func @transform_4(%arg0: i32) -> (i32, i32) {
    %c0_i32 = arith.constant 0 : i32
    %c0_i32_0 = arith.constant 0 : i32
    %c0_i32_1 = arith.constant 0 : i32
    return %c0_i32, %c0_i32_0 : i32, i32
  }
  func.func @transform_5(%arg0: i32) -> (i32, i32) {
    %c0_i32 = arith.constant 0 : i32
    %c0_i32_0 = arith.constant 0 : i32
    %c0_i32_1 = arith.constant 0 : i32
    return %c0_i32, %c0_i32_0 : i32, i32
  }
  func.func @transform_6(%arg0: i32) -> (i32, i32) {
    %c0_i32 = arith.constant 0 : i32
    %c0_i32_0 = arith.constant 0 : i32
    %c0_i32_1 = arith.constant 0 : i32
    return %c0_i32, %c0_i32_0 : i32, i32
  }
  func.func @transform_7(%arg0: i32) -> (i32, i32) {
    %c0_i32 = arith.constant 0 : i32
    %c0_i32_0 = arith.constant 0 : i32
    %c0_i32_1 = arith.constant 0 : i32
    return %c0_i32, %c0_i32_0 : i32, i32
  }
  func.func @transform_8(%arg0: i32) -> (i32, i32) {
    %c0_i32 = arith.constant 0 : i32
    %c0_i32_0 = arith.constant 0 : i32
    %c0_i32_1 = arith.constant 0 : i32
    return %c0_i32, %c0_i32_0 : i32, i32
  }
  func.func @transform_9(%arg0: i32) -> (i32, i32, i32) {
    %c0_i32 = arith.constant 0 : i32
    %c0_i32_0 = arith.constant 0 : i32
    %c0_i32_1 = arith.constant 0 : i32
    return %arg0, %c0_i32, %c0_i32_0 : i32, i32, i32
  }
  func.func @transform_10(%arg0: i32) -> (i32, i32) {
    %c0_i32 = arith.constant 0 : i32
    %c0_i32_0 = arith.constant 0 : i32
    %c0_i32_1 = arith.constant 0 : i32
    return %c0_i32, %c0_i32_0 : i32, i32
  }
}

</mosaic_0001>

<sc_bundles>
// kernel: kernel.6.cloned.1.call-start
scs
__scs_entry_jumppad:
0x0: {  	(pc) =	sbr.rel $0x88, $3  }
0x1: {  	(tag) =	ssettag $0x0;
	lr =	simm.s32 $0x1  }
0x2: {  	[smem:$0x3F92] =	sst lr;
	_ =	strace $0xD0000000  }
0x3: {  	_ = 	snop  }
0x4: {  	_ = 	snop  }
0x5: {  	_ = 	snop  }
0x6: {  	_ = 	snop  }
0x7: {  	_ = 	snop  }
__scs_overlays_trampoline_lowered:
0x8: {  	[smem:$0x3FA1] =	sst s0  }
0x9: {  	[smem:$0x3FA2] =	sst s1  }
0xa: {  	[smem:$0x3FA3] =	sst s2  }
0xb: {  	[smem:$0x3FA4] =	sst s3  }
0xc: {  	[smem:$0x3FA5] =	sst s4  }
0xd: {  	[smem:$0x3FA6] =	sst s5  }
0xe: {  	[smem:$0x3FA7] =	sst s6  }
0xf: {  	[smem:$0x3FA8] =	sst s7  }
0x10: {  	[smem:$0x3FA9] =	sst s8  }
0x11: {  	[smem:$0x3FAA] =	sst s9;
	s0 =	simm.s32 @!p0 $0x0  }
0x12: {  	s1 =	sld [smem:$0x3F90];
	s0 =	simm.s32 @p0 $0x1  }
0x13: {  	[smem:$0x3FAB] =	sst s0;
	s0 =	simm.s32 @!p1 $0x0  }
0x14: {  	s2 =	sld [smem:$0x3F8F];
	s0 =	simm.s32 @p1 $0x1  }
0x15: {  	[smem:$0x3FAC] =	sst s0;
	s0 =	simm.s32 @!p2 $0x0  }
0x16: {  	s3 =	sld [smem:$0x3FDB];
	s0 =	simm.s32 @p2 $0x1  }
0x17: {  	s4 =	simm.s32 $0x1BF5;
	[smem:$0x3FAE] =	sst s0  }
0x18: {  	s0 =	sld [smem:$0x3F91];
	_ =	swait.ge [sflag:s4], $0x0  }
0x19: {  	s7 =	sld [smem:$0x3F92]  }
0x1a: {  	s8 =	sadd.s32 $0xFFFFE003, lr  }
0x1b: {  	s9 =	sadd.s32 $0xFFFFFEF7, lr;
	s5 =	simm.s32 $0xFFFFFFFF;
	p2 =	slt.u32 s8, $0xFFFFF086  }
0x1c: {  	p1 =	slt.u32 s9, $0xF7A;
	s5 =	simm.s32 @!p2 $0x0  }
0x1d: {  	s5 =	simm.s32 @p1 $0x1;
	p0 =	seq.s32 s7, s2  }
0x1e: {  	s7 =	smul.u32 @!p0 $0xF7A, s2;
	p2 =	seq.s32 @!p0 s5, $0x0  }
0x1f: {  	s9 =	smul.u32 $0xF7A, s1;
	s8 =	simm.s32 @!p0 $0x1BF5;
	p2 =	por !p2, p0  }
0x20: {  	[sflag:s8] =	ssyncset.s32 @!p0 $0xFFFFF086;
	s6 =	sadd.s32 @!p0 s3, s7;
	s7 =	simm.s32 @!p0 $0x108  }
0x21: {  	s3 =	sadd.s32 s3, s9;
	s6 =	sadd.s32 @!p0 $0x88, s6;
	s7 =	simm.s32 @p2 $0x1082  }
0x22: {  	[simem:s7], [sflag:s8] =	dma.local @!p0 [hbm:s6], $0xF7A  }
0x23: {  	s9 =	sor.u32 $0xD0000000, s2;
	s6 =	simm.s32 $0x108;
	_ =	swait.ge @!p0 [sflag:s8], $0x0  }
0x24: {  	s3 =	sadd.s32 $0x88, s3;
	s6 =	simm.s32 @!p1 $0x1082;
	[sflag:s4] =	ssyncset.s32 $0xFFFFF086  }
0x25: {  	[simem:s6], [sflag:s4] =	dma.local [hbm:s3], $0xF7A  }
0x26: {  	[smem:$0x3F92] =	sst s1;
	(tag) =	ssettag s2;
	_ =	strace s9  }
0x27: {  	s1 =	sld [smem:$0x3FA2]  }
0x28: {  	s2 =	sld [smem:$0x3FA3]  }
0x29: {  	s4 =	sld [smem:$0x3FA5]  }
0x2a: {  	p0 =	seq.s32 s5, $0x0;
	s5 =	sld [smem:$0x3FA6]  }
0x2b: {  	s6 =	sld [smem:$0x3FA7]  }
0x2c: {  	s7 =	sld [smem:$0x3FA8]  }
0x2d: {  	s3 =	simm.s32 $0x108;
	s8 =	sld [smem:$0x3FA9]  }
0x2e: {  	s3 =	simm.s32 @!p0 $0x1082;
	s9 =	sld [smem:$0x3FAA]  }
0x2f: {  	lr =	sadd.s32 s0, s3;
	s0 =	sld [smem:$0x3FA1]  }
0x30: {  	s3 =	sld [smem:$0x3FA4]  }
0x31: {  	[smem:$0x3FAD] =	sst s10  }
0x32: {  	s10 =	sld [smem:$0x3FAB];
	_ =	sdelay $0x3  }
0x33: {  	p0 =	seq.s32 s10, $0x1;
	s10 =	sld [smem:$0x3FAD];
	_ =	sdelay $0x3  }
0x34: {  	[smem:$0x3FAD] =	sst s10  }
0x35: {  	s10 =	sld [smem:$0x3FAC];
	_ =	sdelay $0x3  }
0x36: {  	p1 =	seq.s32 s10, $0x1;
	s10 =	sld [smem:$0x3FAD];
	_ =	sdelay $0x3  }
0x37: {  	[smem:$0x3FAD] =	sst s10  }
0x38: {  	s10 =	sld [smem:$0x3FAE]  }
0x39: {  	_ = 	snop;
	(pc) =	sbr.ind lr, $3  }
0x3a: {  	_ = 	snop  }
0x3b: {  	_ = 	snop  }
0x3c: {  	p2 =	seq.s32 s10, $0x1;
	s10 =	sld [smem:$0x3FAD]  }
0x3d: {  	_ =	shalt  }
0x3e: {  	_ =	shalt  }
0x3f: {  	_ =	shalt  }
0x40: {  	_ =	shalt  }
0x41: {  	_ =	shalt  }
0x42: {  	_ =	shalt  }
0x43: {  	_ =	shalt  }
0x44: {  	_ =	shalt  }
0x45: {  	_ =	shalt  }
0x46: {  	_ =	shalt  }
0x47: {  	_ =	shalt  }
0x48: {  	_ =	shalt  }
0x49: {  	_ =	shalt  }
0x4a: {  	_ =	shalt  }
0x4b: {  	_ =	shalt  }
0x4c: {  	_ =	shalt  }
0x4d: {  	_ =	shalt  }
0x4e: {  	_ =	shalt  }
0x4f: {  	_ =	shalt  }
0x50: {  	_ =	shalt  }
0x51: {  	_ =	shalt  }
0x52: {  	_ =	shalt  }
0x53: {  	_ =	shalt  }
0x54: {  	_ =	shalt  }
0x55: {  	_ =	shalt  }
0x56: {  	_ =	shalt  }
0x57: {  	_ =	shalt  }
0x58: {  	_ =	shalt  }
0x59: {  	_ =	shalt  }
0x5a: {  	_ =	shalt  }
0x5b: {  	_ =	shalt  }
0x5c: {  	_ =	shalt  }
0x5d: {  	_ =	shalt  }
0x5e: {  	_ =	shalt  }
0x5f: {  	_ =	shalt  }
0x60: {  	_ =	shalt  }
0x61: {  	_ =	shalt  }
0x62: {  	_ =	shalt  }
0x63: {  	_ =	shalt  }
0x64: {  	_ =	shalt  }
0x65: {  	_ =	shalt  }
0x66: {  	_ =	shalt  }
0x67: {  	_ =	shalt  }
0x68: {  	_ =	shalt  }
0x69: {  	_ =	shalt  }
0x6a: {  	_ =	shalt  }
0x6b: {  	_ =	shalt  }
0x6c: {  	_ =	shalt  }
0x6d: {  	_ =	shalt  }
0x6e: {  	_ =	shalt  }
0x6f: {  	_ =	shalt  }
0x70: {  	_ =	shalt  }
0x71: {  	_ =	shalt  }
0x72: {  	_ =	shalt  }
0x73: {  	_ =	shalt  }
0x74: {  	_ =	shalt  }
0x75: {  	_ =	shalt  }
0x76: {  	_ =	shalt  }
0x77: {  	_ =	shalt  }
0x78: {  	_ =	shalt  }
0x79: {  	_ =	shalt  }
0x7a: {  	_ =	shalt  }
0x7b: {  	_ =	shalt  }
0x7c: {  	_ =	shalt  }
0x7d: {  	_ =	shalt  }
0x7e: {  	_ =	shalt  }
0x7f: {  	_ =	shalt  }
0x80: {  	_ =	shalt  }
0x81: {  	_ =	shalt  }
0x82: {  	_ =	shalt  }
0x83: {  	_ =	shalt  }
0x84: {  	_ =	shalt  }
0x85: {  	_ =	shalt  }
0x86: {  	_ =	shalt  }
0x87: {  	_ =	shalt  }
.Lfunc_end0:
.L_simem_size_0:
called_computation_lowered:
.L_overlay_start_0:
0x88: {  	s2 =	sld [smem:$0x3FD9]  }
0x89: {  	s3 =	sld [smem:$0x3FFE];
	_ =	sdelay $0x1  }
0x8a: {  	s1 =	srdreg.scid  }
0x8b: {  	s0 =	sand.u32 $0x1, s1  }
0x8c: {  	s17 =	sshll.u32 s0, $0xA;
	s2 =	sadd.s32 s3, s2  }
0x8d: {  	s2 =	sadd.s32 s2, s17  }
0x8e: {  	[smem:$0x3FB9] =	sst s2  }
0x8f: {  	_ = 	snop  }
0x90: {  	s2 =	sld [smem:$0x3FC9];
	(tm) =	ssettm $0x1  }
0x91: {  	s18 =	sld [smem:$0x3FFB];
	_ =	sdelay $0x3  }
0x92: {  	_ =	strace s18  }
0x93: {  	s3 =	sld [smem:$0x3FFC];
	_ =	sdelay $0x3  }
0x94: {  	_ =	strace s3  }
0x95: {  	s3 =	sld [smem:$0x3FFD];
	_ =	sdelay $0x3  }
0x96: {  	_ =	strace s3  }
0x97: {  	_ =	strace $0x8FFFFFFF  }
0x98: {  	s19 =	sld [smem:$0x3FDB];
	_ =	sdelay $0x1  }
0x99: {  	s4 =	simm.s32 $_scs_section_size  }
0x9a: {  	s5 =	simm.s32 $_size__tile_overlayer_lowered;
	s6 =	simm.s32 $_tile_overlayer_lowered  }
0x9b: {  	s22 =	simm.s32 $0x1BFF;
	s21 =	sshll.u32 s6, $0x1;
	s3 =	sadd.s32 s4, s19  }
0x9c: {  	s7 =	simm.s32 $0x0;
	s20 =	sshll.u32 s5, $0x1;
	s5 =	sadd.s32 s21, s3  }
0x9d: {  	[timem:s7], [sflag:s22] =	dma.local [hbm:s5], s20  }
0x9e: {  	_ =	swait.ge [sflag:s22], s20  }
0x9f: {  	s4 =	ssub.s32 $0x0, s20;
	[sflag:s22] =	ssyncset.done $0x0  }
0xa0: {  	[sflag:s22] =	ssyncadd.s32 s4;
	_ =	sdelay $0x1  }
0xa1: {  	s23 =	simm.s32 $0x1B8B  }
0xa2: {  	_ =	swait.ge [sflag:s23], $0x1  }
0xa3: {  	[sflag:s23] =	ssyncset.done $0x0  }
0xa4: {  	s25 =	simm.s32 $0x1B8E;
	s24 =	sld [smem:$0x3FFE];
	[sflag:s23] =	ssyncadd.s32 $0xFFFFFFFF  }
0xa5: {  	s26 =	simm.s32 $execute0_lowered;
	[smem:$0x3FD2] =	sst s25  }
0xa6: {  	s5 =	sshll.u32 s26, $0x1;
	_ =	strace $0x80000046;
	[dreg:$0x1] =	wrdreg $0xFFFFFFFF  }
0xa7: {  	s28 =	simm.s32 $_size_execute0_lowered;
	s3 =	sadd.s32 s3, s5;
	[dreg:$0x0] =	wrdreg $0x0  }
0xa8: {  	s5 =	sshll.u32 s28, $0x1;
	[dreg:$0x2] =	wrdreg s3  }
0xa9: {  	[dreg:$0x3] =	wrdreg s5  }
0xaa: {  	[dreg:$0x4] =	wrdreg $0xC0  }
0xab: {  	_ =	task [dreg:s7], $0x5FFFF  }
0xac: {  	[dreg:$0x1] =	wrdreg $0xFFFFFFFF  }
0xad: {  	[dreg:$0x0] =	wrdreg $0x60  }
0xae: {  	[dreg:$0x2] =	wrdreg s2  }
0xaf: {  	[dreg:$0x3] =	wrdreg s24  }
0xb0: {  	[dreg:$0x4] =	wrdreg $0xA8000  }
0xb1: {  	[dreg:$0x5] =	wrdreg $0x9  }
0xb2: {  	_ =	task.clear_ibuf [dreg:s7], $0x6FFFF;
	_ =	strace $0x90000046  }
0xb3: {  	s29 =	simm.s32 $0x9;
	_ =	strace $0x80000048  }
0xb4: {  	_ =	swait.ge [sflag:s29], $0x1  }
0xb5: {  	[sflag:s29] =	ssyncadd.s32 $0xFFFFFFFF  }
0xb6: {  	_ =	strace $0x90000048  }
0xb7: {  	_ =	sfence  }
0xb8: {  	s30 =	sld [smem:$0x0];
	_ =	sdelay $0x2  }
0xb9: {  	s31 =	sshll.u32 s1, $0xD;
	s1 =	sshrl.u32 s1, $0x2  }
0xba: {  	s3 =	sand.u32 $0x4000, s31;
	s1 =	sadd.s32 s1, s30  }
0xbb: {  	s0 =	sor.u32 s3, s0;
	s1 =	sshll.u32 s1, $0x11  }
0xbc: {  	s0 =	sor.u32 s1, s0  }
0xbd: {  	s0 =	sadd.s32 $0x8F2B, s0  }
0xbe: {  	[sflag:s0] =	ssyncadd.remote.s32 $0x1  }
0xbf: {  	_ =	sfence.sel $0xFFFF  }
0xc0: {  	[dreg:$0x0] =	wrdreg $0xFFFFFFFF;
	(pc) =	sbr.abs _section_cstart, $3  }
0xc1: {  	[dreg:$0x1] =	wrdreg $0xFFFFFFFF  }
0xc2: {  	_ =	task.clear_ibuf [dreg:s7], $0x2FFFF;
	_ =	strace $0x9FFFFFFF  }
0xc3: {  	(tm) =	ssettm $0x7FFFFFFF  }
tec
execute0_lowered:
.L_overlay_start_1:
0x0: {  	(tag) =	ssettag $0x1  }
0x1: {  	s0 =	rddreg [dreg:$0x0]  }
0x2: {  	s1 =	srdreg.scid;
	s5 =	rddreg [dreg:$0x1]  }
0x3: {  	s3 =	rddreg [dreg:$0x2];
	s2 =	stileid.u32;
	s4 =	simm.s32 $0x0  }
0x4: {  	s18 =	simm.s32 $0x6;
	s19 =	simm.s32 $0x1400;
	s20 =	simm.s32 $0x80  }
0x5: {  	s21 =	simm.s32 $0x2800;
	s22 =	simm.s32 $0x6800;
	s23 =	simm.s32 $0x1  }
0x6: {  	s24 =	simm.s32 $0x2;
	s25 =	simm.s32 $0x3;
	s28 =	simm.s32 $0x2700  }
0x7: {  	s29 =	simm.s32 $0x2780;
	s30 =	simm.s32 $0x0;
	s1 =	sand.u32 $0x1, s1  }
0x8: {  	[smem:$0x7FF] =	sst s4;
	s8 =	smul.u32 $0x4F000, s2;
	s12 =	sadd.s32 $0x17400, s5  }
0x9: {  	s11 =	smul.u32 $0x2780, s2;
	s15 =	sadd.s32 $0x128400, s3;
	p0 =	seq.s32 s2, $0xF  }
0xa: {  	s6 =	sshll.u32 s1, $0x4;
	_ =	strace $0x80000047;
	s14 =	smul.u32 $0x27100, s1  }
0xb: {  	s7 =	ssub.s32 $0x2, s1;
	s1 =	smul.u32 $0x138800, s1;
	s15 =	sshrl.u32 @p0 s15, $0x3  }
0xc: {  	s6 =	sor.u32 s2, s6;
	s26 =	sshrl.u32 s7, $0x1;
	s31 =	sshrl.u32 s8, $0x2  }
0xd: {  	s6 =	smul.u32 $0x2800, s6;
	s13 =	ssub.s32 s7, s26;
	s1 =	sshrl.u32 s1, $0x3  }
0xe: {  	s17 =	sadd.s32 s31, s3;
	s26 =	simm.s32 $0x4;
	s1 =	sadd.s32 s12, s1  }
0xf: {  	s13 =	smax.u32 s13, $0x1;
	s17 =	sshrl.u32 @!p0 s17, $0x3;
	s6 =	sshrl.u32 s6, $0x3  }
0x10: {  	s10 =	sadd.s32 s6, s5;
	s5 =	sadd.s32 s0, s11;
	s6 =	sadd.s32 $0x25080, s0  }
0x11: {  	s11 =	sadd.s32 s11, s14;
	s14 =	sshll.u32 @!p0 s2, $0x6;
	s7 =	sadd.s32 $0x3400, s10  }
0x12: {  	s8 =	sadd.s32 $0xD400, s10;
	s9 =	sadd.s32 $0x3680, s10;
	s10 =	sadd.s32 $0xD680, s10  }
0x13: {  	s11 =	sadd.s32 s12, s11;
	s12 =	sadd.s32 $0x25080, s1;
	s16 =	sor.u32 @!p0 $0x1C05, s14  }
.LBB2_1:
0x14: {  	s1 =	simm.s32 @p0 $0x1FC5  }
0x15: {  	[spmem:s15], [sflag:s1] =	dma.local @p0 [hbm:s6], $0x2080  }
0x16: {  	[spmem:s17], [sflag:s16] =	dma.local @!p0 [hbm:s5], $0x2780  }
0x17: {  	[tilespmem:s4], [sflag:$0x6] =	stream.linear.gather [hbm4b:s7+s4], $0x1400, $0x38;
	[tilespmem:$0x1E480] =	vst v63  }
0x18: {  	_ =	swait.ge [sflag:s18], $0x1400  }
0x19: {  	[sflag:s18] =	ssyncset.done $0x0  }
0x1a: {  	[sflag:s18] =	ssyncadd.s32 $0xFFFFEC00  }
0x1b: {  	[tilespmem:s19], [sflag:$0x6] =	stream.linear.gather [hbm4b:s8+s4], $0x1400, $0x38;
	[tilespmem:$0x1E480] =	vst v63  }
0x1c: {  	_ =	swait.ge [sflag:s18], $0x1400  }
0x1d: {  	[sflag:s18] =	ssyncset.done $0x0  }
0x1e: {  	[sflag:s18] =	ssyncadd.s32 $0xFFFFEC00  }
0x1f: {  	[tilespmem:s21], [sflag:$0x1] =	stream.indirect.gather [hbm4b:s0+s20], $0x80, s4, s20, $0xb8;
	[tilespmem:$0x1E480] =	vst v63  }
0x20: {  	s1 =	simm.s32 @p0 $0x5  }
0x21: {  	[tilespmem:s22], [sflag:$0x2] =	stream.indirect.gather [hbm4b:s0+s20], $0x80, s20, s20, $0xb8;
	[tilespmem:$0x1E480] =	vst v63  }
0x22: {  	_ =	swait.ge @p0 [sflag:s1], $0x2080  }
0x23: {  	[sflag:s1] =	ssyncset.done @p0 $0x0  }
0x24: {  	[sflag:s1] =	ssyncadd.s32 @p0 $0xFFFFDF80;
	s1 =	simm.s32 @!p0 $0x5  }
0x25: {  	_ =	swait.ge @!p0 [sflag:s1], $0x2780  }
0x26: {  	[sflag:s1] =	ssyncset.done @!p0 $0x0  }
0x27: {  	[sflag:s1] =	ssyncadd.s32 @!p0 $0xFFFFD880  }
0x28: {  	[bflag:$0x0] =	sbarrier.arrive $0xFFFF  }
0x29: {  	_ =	swait.ge [sflag:s23], $0x4000  }
0x2a: {  	[sflag:s23] =	ssyncset.done $0x0  }
0x2b: {  	s2 =	simm.s32 $0x1400;
	[sflag:s23] =	ssyncadd.s32 $0xFFFFC000  }
0x2c: {  	[spmem:s3] =	stream.indirect.scatter.add.f32 [tilespmem:s21], [sflag:$0x3], $0x80, s2, s20, $0xb8;
	[tilespmem:$0x1E480] =	vst v63  }
0x2d: {  	_ =	swait.ge [sflag:s24], $0x4000  }
0x2e: {  	[sflag:s24] =	ssyncset.done $0x0  }
0x2f: {  	s2 =	simm.s32 $0x1480;
	[sflag:s24] =	ssyncadd.s32 $0xFFFFC000  }
0x30: {  	[spmem:s3] =	stream.indirect.scatter.add.f32 [tilespmem:s22], [sflag:$0x4], $0x80, s2, s20, $0xb8;
	[tilespmem:$0x1E480] =	vst v63  }
0x31: {  	_ =	swait.ge [sflag:s25], $0x4000  }
0x32: {  	[sflag:s25] =	ssyncset.done $0x0  }
0x33: {  	s2 =	simm.s32 $0x100;
	[sflag:s25] =	ssyncadd.s32 $0xFFFFC000  }
0x34: {  	[tilespmem:s21], [sflag:$0x1] =	stream.indirect.gather [hbm4b:s0+s20], $0x80, s2, s20, $0xb8;
	[tilespmem:$0x1E480] =	vst v63  }
0x35: {  	_ =	swait.ge [sflag:s26], $0x4000  }
0x36: {  	[sflag:s26] =	ssyncset.done $0x0  }
0x37: {  	s31 =	simm.s32 $0x400;
	s1 =	simm.s32 $0x180;
	[sflag:s26] =	ssyncadd.s32 $0xFFFFC000  }
.LBB2_2:
0x38: {  	[tilespmem:s22], [sflag:$0x2] =	stream.indirect.gather [hbm4b:s0+s20], $0x80, s1, s20, $0xb8;
	[tilespmem:$0x1E480] =	vst v63  }
0x39: {  	s1 =	smov.u32 s31  }
0x3a: {  	p1 =	sne.s32 s31, $0x4800;
	s31 =	sadd.s32 $0x400, s31;
	_ =	swait.ge [sflag:s23], $0x4000  }
0x3b: {  	s1 =	sshra.s32 s1, $0x2;
	[sflag:s23] =	ssyncset.done $0x0  }
0x3c: {  	s2 =	sadd.s32 $0x1400, s1;
	[sflag:s23] =	ssyncadd.s32 $0xFFFFC000  }
0x3d: {  	[spmem:s3] =	stream.indirect.scatter.add.f32 [tilespmem:s21], [sflag:$0x3], $0x80, s2, s20, $0xb8;
	[tilespmem:$0x1E480] =	vst v63  }
0x3e: {  	_ =	swait.ge [sflag:s24], $0x4000  }
0x3f: {  	[sflag:s24] =	ssyncset.done $0x0  }
0x40: {  	s2 =	sadd.s32 $0x1480, s1;
	[sflag:s24] =	ssyncadd.s32 $0xFFFFC000  }
0x41: {  	[spmem:s3] =	stream.indirect.scatter.add.f32 [tilespmem:s22], [sflag:$0x4], $0x80, s2, s20, $0xb8;
	[tilespmem:$0x1E480] =	vst v63  }
0x42: {  	_ =	swait.ge [sflag:s25], $0x4000  }
0x43: {  	[sflag:s25] =	ssyncset.done $0x0  }
.Ltmp0:
0x44: {  	s2 =	sadd.s32 $0x100, s1;
	[sflag:s25] =	ssyncadd.s32 $0xFFFFC000;
	(pc) =	sbr.rel @p1 .LBB2_2-.Ltmp0, $4  }
0x45: {  	[tilespmem:s21], [sflag:$0x1] =	stream.indirect.gather [hbm4b:s0+s20], $0x80, s2, s20, $0xb8;
	[tilespmem:$0x1E480] =	vst v63  }
0x46: {  	_ =	swait.ge [sflag:s26], $0x4000  }
0x47: {  	[sflag:s26] =	ssyncset.done $0x0  }
0x48: {  	s1 =	sadd.s32 $0x180, s1;
	[sflag:s26] =	ssyncadd.s32 $0xFFFFC000  }
0x49: {  	[tilespmem:s22], [sflag:$0x2] =	stream.indirect.gather [hbm4b:s0+s20], $0x80, s1, s20, $0xb8;
	[tilespmem:$0x1E480] =	vst v63  }
0x4a: {  	_ =	swait.ge [sflag:s23], $0x4000  }
0x4b: {  	[sflag:s23] =	ssyncset.done $0x0  }
0x4c: {  	[sflag:s23] =	ssyncadd.s32 $0xFFFFC000  }
0x4d: {  	[spmem:s3] =	stream.indirect.scatter.add.f32 [tilespmem:s21], [sflag:$0x3], $0x80, s28, s20, $0xb8;
	[tilespmem:$0x1E480] =	vst v63  }
0x4e: {  	_ =	swait.ge [sflag:s24], $0x4000  }
0x4f: {  	[sflag:s24] =	ssyncset.done $0x0  }
0x50: {  	[sflag:s24] =	ssyncadd.s32 $0xFFFFC000  }
0x51: {  	[spmem:s3] =	stream.indirect.scatter.add.f32 [tilespmem:s22], [sflag:$0x4], $0x80, s29, s20, $0xb8;
	[tilespmem:$0x1E480] =	vst v63  }
0x52: {  	_ =	swait.ge [sflag:s25], $0x4000  }
0x53: {  	[sflag:s25] =	ssyncset.done $0x0  }
0x54: {  	[sflag:s25] =	ssyncadd.s32 $0xFFFFC000  }
0x55: {  	_ =	swait.ge [sflag:s26], $0x4000  }
0x56: {  	[sflag:s26] =	ssyncset.done $0x0  }
0x57: {  	s2 =	simm.s32 $0x0;
	[sflag:s26] =	ssyncadd.s32 $0xFFFFC000  }
0x58: {  	[tilespmem:s2], [sflag:$0x6] =	stream.linear.gather [hbm4b:s9+s2], $0x1400, $0x38;
	[tilespmem:$0x1E480] =	vst v63  }
0x59: {  	_ =	swait.ge [sflag:s18], $0x1400  }
0x5a: {  	[sflag:s18] =	ssyncset.done $0x0  }
0x5b: {  	[sflag:s18] =	ssyncadd.s32 $0xFFFFEC00  }
0x5c: {  	[tilespmem:s19], [sflag:$0x6] =	stream.linear.gather [hbm4b:s10+s2], $0x1400, $0x38;
	[tilespmem:$0x1E480] =	vst v63  }
0x5d: {  	_ =	swait.ge [sflag:s18], $0x1400  }
0x5e: {  	[sflag:s18] =	ssyncset.done $0x0  }
0x5f: {  	[sflag:s18] =	ssyncadd.s32 $0xFFFFEC00  }
0x60: {  	[tilespmem:s21], [sflag:$0x1] =	stream.indirect.gather [hbm4b:s0+s20], $0x80, s2, s20, $0xb8;
	[tilespmem:$0x1E480] =	vst v63  }
0x61: {  	_ = 	snop  }
0x62: {  	[tilespmem:s22], [sflag:$0x2] =	stream.indirect.gather [hbm4b:s0+s20], $0x80, s20, s20, $0xb8;
	[tilespmem:$0x1E480] =	vst v63  }
0x63: {  	_ =	swait.ge [sflag:s23], $0x4000  }
0x64: {  	[sflag:s23] =	ssyncset.done $0x0  }
0x65: {  	s2 =	simm.s32 $0x1400;
	[sflag:s23] =	ssyncadd.s32 $0xFFFFC000  }
0x66: {  	[spmem:s3] =	stream.indirect.scatter.add.f32 [tilespmem:s21], [sflag:$0x3], $0x80, s2, s20, $0xb8;
	[tilespmem:$0x1E480] =	vst v63  }
0x67: {  	_ =	swait.ge [sflag:s24], $0x4000  }
0x68: {  	[sflag:s24] =	ssyncset.done $0x0  }
0x69: {  	s2 =	simm.s32 $0x1480;
	[sflag:s24] =	ssyncadd.s32 $0xFFFFC000  }
0x6a: {  	[spmem:s3] =	stream.indirect.scatter.add.f32 [tilespmem:s22], [sflag:$0x4], $0x80, s2, s20, $0xb8;
	[tilespmem:$0x1E480] =	vst v63  }
0x6b: {  	_ =	swait.ge [sflag:s25], $0x4000  }
0x6c: {  	[sflag:s25] =	ssyncset.done $0x0  }
0x6d: {  	s2 =	simm.s32 $0x100;
	[sflag:s25] =	ssyncadd.s32 $0xFFFFC000  }
0x6e: {  	[tilespmem:s21], [sflag:$0x1] =	stream.indirect.gather [hbm4b:s0+s20], $0x80, s2, s20, $0xb8;
	[tilespmem:$0x1E480] =	vst v63  }
0x6f: {  	_ =	swait.ge [sflag:s26], $0x4000  }
0x70: {  	[sflag:s26] =	ssyncset.done $0x0  }
0x71: {  	s31 =	simm.s32 $0x400;
	s1 =	simm.s32 $0x180;
	[sflag:s26] =	ssyncadd.s32 $0xFFFFC000  }
.LBB2_4:
0x72: {  	[tilespmem:s22], [sflag:$0x2] =	stream.indirect.gather [hbm4b:s0+s20], $0x80, s1, s20, $0xb8;
	[tilespmem:$0x1E480] =	vst v63  }
0x73: {  	s1 =	smov.u32 s31  }
0x74: {  	p1 =	sne.s32 s31, $0x4800;
	s31 =	sadd.s32 $0x400, s31;
	_ =	swait.ge [sflag:s23], $0x4000  }
0x75: {  	s1 =	sshra.s32 s1, $0x2;
	[sflag:s23] =	ssyncset.done $0x0  }
0x76: {  	s2 =	sadd.s32 $0x1400, s1;
	[sflag:s23] =	ssyncadd.s32 $0xFFFFC000  }
0x77: {  	[spmem:s3] =	stream.indirect.scatter.add.f32 [tilespmem:s21], [sflag:$0x3], $0x80, s2, s20, $0xb8;
	[tilespmem:$0x1E480] =	vst v63  }
0x78: {  	_ =	swait.ge [sflag:s24], $0x4000  }
0x79: {  	[sflag:s24] =	ssyncset.done $0x0  }
0x7a: {  	s2 =	sadd.s32 $0x1480, s1;
	[sflag:s24] =	ssyncadd.s32 $0xFFFFC000  }
0x7b: {  	[spmem:s3] =	stream.indirect.scatter.add.f32 [tilespmem:s22], [sflag:$0x4], $0x80, s2, s20, $0xb8;
	[tilespmem:$0x1E480] =	vst v63  }
0x7c: {  	_ =	swait.ge [sflag:s25], $0x4000  }
0x7d: {  	[sflag:s25] =	ssyncset.done $0x0  }
.Ltmp1:
0x7e: {  	s2 =	sadd.s32 $0x100, s1;
	[sflag:s25] =	ssyncadd.s32 $0xFFFFC000;
	(pc) =	sbr.rel @p1 .LBB2_4-.Ltmp1, $4  }
0x7f: {  	[tilespmem:s21], [sflag:$0x1] =	stream.indirect.gather [hbm4b:s0+s20], $0x80, s2, s20, $0xb8;
	[tilespmem:$0x1E480] =	vst v63  }
0x80: {  	_ =	swait.ge [sflag:s26], $0x4000  }
0x81: {  	[sflag:s26] =	ssyncset.done $0x0  }
0x82: {  	s1 =	sadd.s32 $0x180, s1;
	[sflag:s26] =	ssyncadd.s32 $0xFFFFC000  }
0x83: {  	[tilespmem:s22], [sflag:$0x2] =	stream.indirect.gather [hbm4b:s0+s20], $0x80, s1, s20, $0xb8;
	[tilespmem:$0x1E480] =	vst v63  }
0x84: {  	_ =	swait.ge [sflag:s23], $0x4000  }
0x85: {  	[sflag:s23] =	ssyncset.done $0x0  }
0x86: {  	[sflag:s23] =	ssyncadd.s32 $0xFFFFC000  }
0x87: {  	[spmem:s3] =	stream.indirect.scatter.add.f32 [tilespmem:s21], [sflag:$0x3], $0x80, s28, s20, $0xb8;
	[tilespmem:$0x1E480] =	vst v63  }
0x88: {  	_ =	swait.ge [sflag:s24], $0x4000  }
0x89: {  	[sflag:s24] =	ssyncset.done $0x0  }
0x8a: {  	[sflag:s24] =	ssyncadd.s32 $0xFFFFC000  }
0x8b: {  	[spmem:s3] =	stream.indirect.scatter.add.f32 [tilespmem:s22], [sflag:$0x4], $0x80, s29, s20, $0xb8;
	[tilespmem:$0x1E480] =	vst v63  }
0x8c: {  	_ =	swait.ge [sflag:s25], $0x4000  }
0x8d: {  	[sflag:s25] =	ssyncset.done $0x0  }
0x8e: {  	[sflag:s25] =	ssyncadd.s32 $0xFFFFC000  }
0x8f: {  	_ =	swait.ge [sflag:s26], $0x4000  }
0x90: {  	[sflag:s26] =	ssyncset.done $0x0  }
0x91: {  	[sflag:s26] =	ssyncadd.s32 $0xFFFFC000  }
0x92: {  	s1 =	simm.s32 @p0 $0x1FC6;
	[bflag:$0x0] =	sbarrier.arrive $0xFFFF  }
0x93: {  	[hbm:s12], [sflag:s1] =	dma.local @p0 [spmem:s15], $0x2080  }
0x94: {  	s1 =	simm.s32 @p0 $0x6  }
0x95: {  	_ =	swait.ge @p0 [sflag:s1], $0x2080  }
0x96: {  	s30 =	sadd.s32 $0x1, s30;
	[sflag:s1] =	ssyncset.done @p0 $0x0  }
0x97: {  	p1 =	sne.s32 s30, s13;
	[sflag:s1] =	ssyncadd.s32 @p0 $0xFFFFDF80;
	s1 =	sor.u32 @!p0 $0x1C06, s14  }
0x98: {  	[hbm:s11], [sflag:s1] =	dma.local @!p0 [spmem:s17], $0x2780  }
.Ltmp2:
0x99: {  	_ = 	snop;
	(pc) =	sbr.rel @p1 .LBB2_1-.Ltmp2, $4  }
0x9a: {  	s1 =	simm.s32 @!p0 $0x6  }
0x9b: {  	_ =	swait.ge @!p0 [sflag:s1], $0x2780  }
0x9c: {  	[sflag:s1] =	ssyncset.done @!p0 $0x0  }
0x9d: {  	[sflag:s1] =	ssyncadd.s32 @!p0 $0xFFFFD880  }
0x9e: {  	_ =	sfence.sel $0x180000  }
0x9f: {  	[bflag:$0x0] =	sbarrier.arrive $0xFFFF  }
0xa0: {  	_ =	strace $0x90000047  }
0xa1: {  	s0 =	stileid.u32;
	[bflag:$0x2] =	sbarrier.arrive $0xFFFF  }
0xa2: {  	p0 =	sne.s32 s0, $0x0;
	s0 =	rddreg [dreg:$0x3]  }
0xa3: {  	s0 =	sadd.s32 @!p0 $0x100000, s0  }
0xa4: {  	[sflag:s0] =	ssyncadd.tile.s32 @!p0 $0x1;
	_ =	shalt  }
.Lfunc_end2:
_tile_overlayer_lowered:
.L_overlay_start_2:
0xa5: {  	(tag) =	ssettag $0x2  }
0xa6: {  	s0 =	rddreg [dreg:$0x0];
	s2 =	stileid.u32  }
0xa7: {  	s1 =	rddreg [dreg:$0x1];
	p0 =	sne.s32 s2, $0x0  }
0xa8: {  	s3 =	rddreg [dreg:$0x2];
	[bflag:$0x3] =	sbarrier.arrive $0xFFFF;
	s2 =	simm.s32 @!p0 $0x1C06  }
0xa9: {  	[timem:s3], [sflag:s2] =	dma.local @!p0 [hbm:s0], s1  }
0xaa: {  	s0 =	simm.s32 @!p0 $0x6  }
0xab: {  	_ =	swait.ge @!p0 [sflag:s0], s1  }
0xac: {  	s1 =	ssub.s32 @!p0 $0x0, s1;
	[sflag:s0] =	ssyncset.done @!p0 $0x0  }
0xad: {  	[sflag:s0] =	ssyncadd.s32 @!p0 s1  }
0xae: {  	[bflag:$0x3] =	sbarrier.arrive $0xFFFF  }
0xaf: {  	_ =	shalt  }

// kernel: kernel.9.cloned.1.call-start
scs
__scs_entry_jumppad:
0x0: {  	(pc) =	sbr.rel $0x88, $3  }
0x1: {  	(tag) =	ssettag $0x0;
	lr =	simm.s32 $0x1  }
0x2: {  	[smem:$0x3F92] =	sst lr;
	_ =	strace $0xD0000000  }
0x3: {  	_ = 	snop  }
0x4: {  	_ = 	snop  }
0x5: {  	_ = 	snop  }
0x6: {  	_ = 	snop  }
0x7: {  	_ = 	snop  }
__scs_overlays_trampoline_lowered:
0x8: {  	[smem:$0x3FA1] =	sst s0  }
0x9: {  	[smem:$0x3FA2] =	sst s1  }
0xa: {  	[smem:$0x3FA3] =	sst s2  }
0xb: {  	[smem:$0x3FA4] =	sst s3  }
0xc: {  	[smem:$0x3FA5] =	sst s4  }
0xd: {  	[smem:$0x3FA6] =	sst s5  }
0xe: {  	[smem:$0x3FA7] =	sst s6  }
0xf: {  	[smem:$0x3FA8] =	sst s7  }
0x10: {  	[smem:$0x3FA9] =	sst s8  }
0x11: {  	[smem:$0x3FAA] =	sst s9;
	s0 =	simm.s32 @!p0 $0x0  }
0x12: {  	s1 =	sld [smem:$0x3F90];
	s0 =	simm.s32 @p0 $0x1  }
0x13: {  	[smem:$0x3FAB] =	sst s0;
	s0 =	simm.s32 @!p1 $0x0  }
0x14: {  	s2 =	sld [smem:$0x3F8F];
	s0 =	simm.s32 @p1 $0x1  }
0x15: {  	[smem:$0x3FAC] =	sst s0;
	s0 =	simm.s32 @!p2 $0x0  }
0x16: {  	s3 =	sld [smem:$0x3FDB];
	s0 =	simm.s32 @p2 $0x1  }
0x17: {  	s4 =	simm.s32 $0x1BF5;
	[smem:$0x3FAE] =	sst s0  }
0x18: {  	s0 =	sld [smem:$0x3F91];
	_ =	swait.ge [sflag:s4], $0x0  }
0x19: {  	s7 =	sld [smem:$0x3F92]  }
0x1a: {  	s8 =	sadd.s32 $0xFFFFE003, lr  }
0x1b: {  	s9 =	sadd.s32 $0xFFFFFEF7, lr;
	s5 =	simm.s32 $0xFFFFFFFF;
	p2 =	slt.u32 s8, $0xFFFFF086  }
0x1c: {  	p1 =	slt.u32 s9, $0xF7A;
	s5 =	simm.s32 @!p2 $0x0  }
0x1d: {  	s5 =	simm.s32 @p1 $0x1;
	p0 =	seq.s32 s7, s2  }
0x1e: {  	s7 =	smul.u32 @!p0 $0xF7A, s2;
	p2 =	seq.s32 @!p0 s5, $0x0  }
0x1f: {  	s9 =	smul.u32 $0xF7A, s1;
	s8 =	simm.s32 @!p0 $0x1BF5;
	p2 =	por !p2, p0  }
0x20: {  	[sflag:s8] =	ssyncset.s32 @!p0 $0xFFFFF086;
	s6 =	sadd.s32 @!p0 s3, s7;
	s7 =	simm.s32 @!p0 $0x108  }
0x21: {  	s3 =	sadd.s32 s3, s9;
	s6 =	sadd.s32 @!p0 $0x88, s6;
	s7 =	simm.s32 @p2 $0x1082  }
0x22: {  	[simem:s7], [sflag:s8] =	dma.local @!p0 [hbm:s6], $0xF7A  }
0x23: {  	s9 =	sor.u32 $0xD0000000, s2;
	s6 =	simm.s32 $0x108;
	_ =	swait.ge @!p0 [sflag:s8], $0x0  }
0x24: {  	s3 =	sadd.s32 $0x88, s3;
	s6 =	simm.s32 @!p1 $0x1082;
	[sflag:s4] =	ssyncset.s32 $0xFFFFF086  }
0x25: {  	[simem:s6], [sflag:s4] =	dma.local [hbm:s3], $0xF7A  }
0x26: {  	[smem:$0x3F92] =	sst s1;
	(tag) =	ssettag s2;
	_ =	strace s9  }
0x27: {  	s1 =	sld [smem:$0x3FA2]  }
0x28: {  	s2 =	sld [smem:$0x3FA3]  }
0x29: {  	s4 =	sld [smem:$0x3FA5]  }
0x2a: {  	p0 =	seq.s32 s5, $0x0;
	s5 =	sld [smem:$0x3FA6]  }
0x2b: {  	s6 =	sld [smem:$0x3FA7]  }
0x2c: {  	s7 =	sld [smem:$0x3FA8]  }
0x2d: {  	s3 =	simm.s32 $0x108;
	s8 =	sld [smem:$0x3FA9]  }
0x2e: {  	s3 =	simm.s32 @!p0 $0x1082;
	s9 =	sld [smem:$0x3FAA]  }
0x2f: {  	lr =	sadd.s32 s0, s3;
	s0 =	sld [smem:$0x3FA1]  }
0x30: {  	s3 =	sld [smem:$0x3FA4]  }
0x31: {  	[smem:$0x3FAD] =	sst s10  }
0x32: {  	s10 =	sld [smem:$0x3FAB];
	_ =	sdelay $0x3  }
0x33: {  	p0 =	seq.s32 s10, $0x1;
	s10 =	sld [smem:$0x3FAD];
	_ =	sdelay $0x3  }
0x34: {  	[smem:$0x3FAD] =	sst s10  }
0x35: {  	s10 =	sld [smem:$0x3FAC];
	_ =	sdelay $0x3  }
0x36: {  	p1 =	seq.s32 s10, $0x1;
	s10 =	sld [smem:$0x3FAD];
	_ =	sdelay $0x3  }
0x37: {  	[smem:$0x3FAD] =	sst s10  }
0x38: {  	s10 =	sld [smem:$0x3FAE]  }
0x39: {  	_ = 	snop;
	(pc) =	sbr.ind lr, $3  }
0x3a: {  	_ = 	snop  }
0x3b: {  	_ = 	snop  }
0x3c: {  	p2 =	seq.s32 s10, $0x1;
	s10 =	sld [smem:$0x3FAD]  }
0x3d: {  	_ =	shalt  }
0x3e: {  	_ =	shalt  }
0x3f: {  	_ =	shalt  }
0x40: {  	_ =	shalt  }
0x41: {  	_ =	shalt  }
0x42: {  	_ =	shalt  }
0x43: {  	_ =	shalt  }
0x44: {  	_ =	shalt  }
0x45: {  	_ =	shalt  }
0x46: {  	_ =	shalt  }
0x47: {  	_ =	shalt  }
0x48: {  	_ =	shalt  }
0x49: {  	_ =	shalt  }
0x4a: {  	_ =	shalt  }
0x4b: {  	_ =	shalt  }
0x4c: {  	_ =	shalt  }
0x4d: {  	_ =	shalt  }
0x4e: {  	_ =	shalt  }
0x4f: {  	_ =	shalt  }
0x50: {  	_ =	shalt  }
0x51: {  	_ =	shalt  }
0x52: {  	_ =	shalt  }
0x53: {  	_ =	shalt  }
0x54: {  	_ =	shalt  }
0x55: {  	_ =	shalt  }
0x56: {  	_ =	shalt  }
0x57: {  	_ =	shalt  }
0x58: {  	_ =	shalt  }
0x59: {  	_ =	shalt  }
0x5a: {  	_ =	shalt  }
0x5b: {  	_ =	shalt  }
0x5c: {  	_ =	shalt  }
0x5d: {  	_ =	shalt  }
0x5e: {  	_ =	shalt  }
0x5f: {  	_ =	shalt  }
0x60: {  	_ =	shalt  }
0x61: {  	_ =	shalt  }
0x62: {  	_ =	shalt  }
0x63: {  	_ =	shalt  }
0x64: {  	_ =	shalt  }
0x65: {  	_ =	shalt  }
0x66: {  	_ =	shalt  }
0x67: {  	_ =	shalt  }
0x68: {  	_ =	shalt  }
0x69: {  	_ =	shalt  }
0x6a: {  	_ =	shalt  }
0x6b: {  	_ =	shalt  }
0x6c: {  	_ =	shalt  }
0x6d: {  	_ =	shalt  }
0x6e: {  	_ =	shalt  }
0x6f: {  	_ =	shalt  }
0x70: {  	_ =	shalt  }
0x71: {  	_ =	shalt  }
0x72: {  	_ =	shalt  }
0x73: {  	_ =	shalt  }
0x74: {  	_ =	shalt  }
0x75: {  	_ =	shalt  }
0x76: {  	_ =	shalt  }
0x77: {  	_ =	shalt  }
0x78: {  	_ =	shalt  }
0x79: {  	_ =	shalt  }
0x7a: {  	_ =	shalt  }
0x7b: {  	_ =	shalt  }
0x7c: {  	_ =	shalt  }
0x7d: {  	_ =	shalt  }
0x7e: {  	_ =	shalt  }
0x7f: {  	_ =	shalt  }
0x80: {  	_ =	shalt  }
0x81: {  	_ =	shalt  }
0x82: {  	_ =	shalt  }
0x83: {  	_ =	shalt  }
0x84: {  	_ =	shalt  }
0x85: {  	_ =	shalt  }
0x86: {  	_ =	shalt  }
0x87: {  	_ =	shalt  }
.Lfunc_end0:
.L_simem_size_0:
called_computation.1_lowered:
.L_overlay_start_0:
0x88: {  	s2 =	sld [smem:$0x3FD9]  }
0x89: {  	s3 =	sld [smem:$0x3FFE];
	_ =	sdelay $0x1  }
0x8a: {  	s1 =	srdreg.scid  }
0x8b: {  	s0 =	sand.u32 $0x1, s1  }
0x8c: {  	s16 =	sshll.u32 s0, $0xA;
	s2 =	sadd.s32 s3, s2  }
0x8d: {  	s2 =	sadd.s32 s2, s16  }
0x8e: {  	[smem:$0x3FB9] =	sst s2  }
0x8f: {  	_ = 	snop  }
0x90: {  	(tm) =	ssettm $0x1  }
0x91: {  	s17 =	sld [smem:$0x3FFB];
	_ =	sdelay $0x3  }
0x92: {  	_ =	strace s17  }
0x93: {  	s2 =	sld [smem:$0x3FFC];
	_ =	sdelay $0x3  }
0x94: {  	_ =	strace s2  }
0x95: {  	s2 =	sld [smem:$0x3FFD];
	_ =	sdelay $0x3  }
0x96: {  	_ =	strace s2  }
0x97: {  	_ =	strace $0x8FFFFFFF  }
0x98: {  	s18 =	sld [smem:$0x3FDB];
	_ =	sdelay $0x1  }
0x99: {  	s19 =	simm.s32 $_scs_section_size  }
0x9a: {  	s4 =	simm.s32 $_size__tile_overlayer_lowered;
	s5 =	simm.s32 $_tile_overlayer_lowered  }
0x9b: {  	s22 =	simm.s32 $0x1BFF;
	s21 =	sshll.u32 s5, $0x1;
	s2 =	sadd.s32 s19, s18  }
0x9c: {  	s6 =	simm.s32 $0x0;
	s20 =	sshll.u32 s4, $0x1;
	s4 =	sadd.s32 s21, s2  }
0x9d: {  	[timem:s6], [sflag:s22] =	dma.local [hbm:s4], s20  }
0x9e: {  	_ =	swait.ge [sflag:s22], s20  }
0x9f: {  	s3 =	ssub.s32 $0x0, s20;
	[sflag:s22] =	ssyncset.done $0x0  }
0xa0: {  	[sflag:s22] =	ssyncadd.s32 s3;
	_ =	sdelay $0x1  }
0xa1: {  	s23 =	simm.s32 $0x1B8B  }
0xa2: {  	_ =	swait.ge [sflag:s23], $0x1  }
0xa3: {  	[sflag:s23] =	ssyncset.done $0x0  }
0xa4: {  	s25 =	simm.s32 $0x1B8E;
	s24 =	sld [smem:$0x3FFE];
	[sflag:s23] =	ssyncadd.s32 $0xFFFFFFFF  }
0xa5: {  	s26 =	simm.s32 $execute0_lowered;
	[smem:$0x3FD2] =	sst s25  }
0xa6: {  	s4 =	sshll.u32 s26, $0x1;
	_ =	strace $0x80000049;
	[dreg:$0x1] =	wrdreg $0xFFFFFFFF  }
0xa7: {  	s28 =	simm.s32 $_size_execute0_lowered;
	s2 =	sadd.s32 s2, s4;
	[dreg:$0x0] =	wrdreg $0x0  }
0xa8: {  	s4 =	sshll.u32 s28, $0x1;
	[dreg:$0x2] =	wrdreg s2  }
0xa9: {  	[dreg:$0x3] =	wrdreg s4  }
0xaa: {  	[dreg:$0x4] =	wrdreg $0xC0  }
0xab: {  	_ =	task [dreg:s6], $0x5FFFF  }
0xac: {  	[dreg:$0x1] =	wrdreg $0xFFFFFFFF  }
0xad: {  	[dreg:$0x0] =	wrdreg $0x60  }
0xae: {  	[dreg:$0x2] =	wrdreg s24  }
0xaf: {  	[dreg:$0x3] =	wrdreg $0xA8000  }
0xb0: {  	[dreg:$0x4] =	wrdreg $0x9  }
0xb1: {  	_ =	task.clear_ibuf [dreg:s6], $0x5FFFF;
	_ =	strace $0x90000049  }
0xb2: {  	s29 =	simm.s32 $0x9;
	_ =	strace $0x8000004B  }
0xb3: {  	_ =	swait.ge [sflag:s29], $0x1  }
0xb4: {  	[sflag:s29] =	ssyncadd.s32 $0xFFFFFFFF  }
0xb5: {  	_ =	strace $0x9000004B  }
0xb6: {  	_ =	sfence  }
0xb7: {  	s30 =	sld [smem:$0x0];
	_ =	sdelay $0x2  }
0xb8: {  	s31 =	sshll.u32 s1, $0xD;
	s1 =	sshrl.u32 s1, $0x2  }
0xb9: {  	s3 =	sand.u32 $0x4000, s31;
	s1 =	sadd.s32 s1, s30  }
0xba: {  	s0 =	sor.u32 s3, s0;
	s1 =	sshll.u32 s1, $0x11  }
0xbb: {  	s0 =	sor.u32 s1, s0  }
0xbc: {  	s0 =	sadd.s32 $0x8F2B, s0  }
0xbd: {  	[sflag:s0] =	ssyncadd.remote.s32 $0x1  }
0xbe: {  	_ =	sfence.sel $0xFFFF  }
0xbf: {  	[dreg:$0x0] =	wrdreg $0xFFFFFFFF;
	(pc) =	sbr.abs _section_cstart, $3  }
0xc0: {  	[dreg:$0x1] =	wrdreg $0xFFFFFFFF  }
0xc1: {  	_ =	task.clear_ibuf [dreg:s6], $0x2FFFF;
	_ =	strace $0x9FFFFFFF  }
0xc2: {  	(tm) =	ssettm $0x7FFFFFFF  }
0xc3: {  	_ =	shalt  }
tec
execute0_lowered:
.L_overlay_start_1:
0x0: {  	(tag) =	ssettag $0x1  }
0x1: {  	s6 =	rddreg [dreg:$0x0]  }
0x2: {  	s0 =	srdreg.scid;
	s2 =	rddreg [dreg:$0x1]  }
0x3: {  	s1 =	stileid.u32;
	s3 =	simm.s32 $0x0;
	s18 =	simm.s32 $0x6  }
0x4: {  	s19 =	simm.s32 $0x1400;
	s20 =	simm.s32 $0x80;
	s21 =	simm.s32 $0x2800  }
0x5: {  	s22 =	simm.s32 $0x6800;
	s23 =	simm.s32 $0x1;
	s24 =	simm.s32 $0x2  }
0x6: {  	s25 =	simm.s32 $0x3;
	s28 =	simm.s32 $0x2700;
	s29 =	simm.s32 $0x2780  }
0x7: {  	s30 =	simm.s32 $0x0;
	s0 =	sand.u32 $0x1, s0;
	s8 =	smul.u32 $0x4F000, s1  }
0x8: {  	[smem:$0x7FF] =	sst s3;
	s12 =	sadd.s32 $0x3E600, s6;
	s11 =	smul.u32 $0x2780, s1  }
0x9: {  	s15 =	sadd.s32 $0x128400, s2;
	p0 =	seq.s32 s1, $0xF;
	s4 =	sshll.u32 s0, $0x4  }
0xa: {  	_ =	strace $0x8000004A;
	s7 =	ssub.s32 $0x2, s0;
	s14 =	smul.u32 $0x27100, s0  }
0xb: {  	s0 =	smul.u32 $0x138800, s0;
	s15 =	sshrl.u32 @p0 s15, $0x3;
	s4 =	sor.u32 s1, s4  }
0xc: {  	s26 =	sshrl.u32 s7, $0x1;
	s31 =	sshrl.u32 s8, $0x2;
	s5 =	smul.u32 $0x2800, s4  }
0xd: {  	s4 =	sadd.s32 $0x17400, s6;
	s13 =	ssub.s32 s7, s26;
	s0 =	sshrl.u32 s0, $0x3  }
0xe: {  	s17 =	sadd.s32 s31, s2;
	s26 =	simm.s32 $0x4;
	s0 =	sadd.s32 s12, s0  }
0xf: {  	s13 =	smax.u32 s13, $0x1;
	s17 =	sshrl.u32 @!p0 s17, $0x3;
	s5 =	sshrl.u32 s5, $0x3  }
0x10: {  	s10 =	sadd.s32 s5, s6;
	s5 =	sadd.s32 s4, s11;
	s6 =	sadd.s32 $0x3C480, s6  }
0x11: {  	s11 =	sadd.s32 s11, s14;
	s14 =	sshll.u32 @!p0 s1, $0x6;
	s7 =	sadd.s32 $0x3400, s10  }
0x12: {  	s8 =	sadd.s32 $0xD400, s10;
	s9 =	sadd.s32 $0x3680, s10;
	s10 =	sadd.s32 $0xD680, s10  }
0x13: {  	s11 =	sadd.s32 s12, s11;
	s12 =	sadd.s32 $0x25080, s0;
	s16 =	sor.u32 @!p0 $0x1C05, s14  }
.LBB2_1:
0x14: {  	s0 =	simm.s32 @p0 $0x1FC5  }
0x15: {  	[spmem:s15], [sflag:s0] =	dma.local @p0 [hbm:s6], $0x2080  }
0x16: {  	[spmem:s17], [sflag:s16] =	dma.local @!p0 [hbm:s5], $0x2780  }
0x17: {  	[tilespmem:s3], [sflag:$0x6] =	stream.linear.gather [hbm4b:s7+s3], $0x1400, $0x38;
	[tilespmem:$0x1E480] =	vst v63  }
0x18: {  	_ =	swait.ge [sflag:s18], $0x1400  }
0x19: {  	[sflag:s18] =	ssyncset.done $0x0  }
0x1a: {  	[sflag:s18] =	ssyncadd.s32 $0xFFFFEC00  }
0x1b: {  	[tilespmem:s19], [sflag:$0x6] =	stream.linear.gather [hbm4b:s8+s3], $0x1400, $0x38;
	[tilespmem:$0x1E480] =	vst v63  }
0x1c: {  	_ =	swait.ge [sflag:s18], $0x1400  }
0x1d: {  	[sflag:s18] =	ssyncset.done $0x0  }
0x1e: {  	[sflag:s18] =	ssyncadd.s32 $0xFFFFEC00  }
0x1f: {  	[tilespmem:s21], [sflag:$0x1] =	stream.indirect.gather [hbm4b:s4+s20], $0x80, s3, s20, $0xb8;
	[tilespmem:$0x1E480] =	vst v63  }
0x20: {  	s0 =	simm.s32 @p0 $0x5  }
0x21: {  	[tilespmem:s22], [sflag:$0x2] =	stream.indirect.gather [hbm4b:s4+s20], $0x80, s20, s20, $0xb8;
	[tilespmem:$0x1E480] =	vst v63  }
0x22: {  	_ =	swait.ge @p0 [sflag:s0], $0x2080  }
0x23: {  	[sflag:s0] =	ssyncset.done @p0 $0x0  }
0x24: {  	[sflag:s0] =	ssyncadd.s32 @p0 $0xFFFFDF80;
	s0 =	simm.s32 @!p0 $0x5  }
0x25: {  	_ =	swait.ge @!p0 [sflag:s0], $0x2780  }
0x26: {  	[sflag:s0] =	ssyncset.done @!p0 $0x0  }
0x27: {  	[sflag:s0] =	ssyncadd.s32 @!p0 $0xFFFFD880  }
0x28: {  	[bflag:$0x0] =	sbarrier.arrive $0xFFFF  }
0x29: {  	_ =	swait.ge [sflag:s23], $0x4000  }
0x2a: {  	[sflag:s23] =	ssyncset.done $0x0  }
0x2b: {  	s1 =	simm.s32 $0x1400;
	[sflag:s23] =	ssyncadd.s32 $0xFFFFC000  }
0x2c: {  	[spmem:s2] =	stream.indirect.scatter.add.f32 [tilespmem:s21], [sflag:$0x3], $0x80, s1, s20, $0xb8;
	[tilespmem:$0x1E480] =	vst v63  }
0x2d: {  	_ =	swait.ge [sflag:s24], $0x4000  }
0x2e: {  	[sflag:s24] =	ssyncset.done $0x0  }
0x2f: {  	s1 =	simm.s32 $0x1480;
	[sflag:s24] =	ssyncadd.s32 $0xFFFFC000  }
0x30: {  	[spmem:s2] =	stream.indirect.scatter.add.f32 [tilespmem:s22], [sflag:$0x4], $0x80, s1, s20, $0xb8;
	[tilespmem:$0x1E480] =	vst v63  }
0x31: {  	_ =	swait.ge [sflag:s25], $0x4000  }
0x32: {  	[sflag:s25] =	ssyncset.done $0x0  }
0x33: {  	s1 =	simm.s32 $0x100;
	[sflag:s25] =	ssyncadd.s32 $0xFFFFC000  }
0x34: {  	[tilespmem:s21], [sflag:$0x1] =	stream.indirect.gather [hbm4b:s4+s20], $0x80, s1, s20, $0xb8;
	[tilespmem:$0x1E480] =	vst v63  }
0x35: {  	_ =	swait.ge [sflag:s26], $0x4000  }
0x36: {  	[sflag:s26] =	ssyncset.done $0x0  }
0x37: {  	s31 =	simm.s32 $0x400;
	s0 =	simm.s32 $0x180;
	[sflag:s26] =	ssyncadd.s32 $0xFFFFC000  }
.LBB2_2:
0x38: {  	[tilespmem:s22], [sflag:$0x2] =	stream.indirect.gather [hbm4b:s4+s20], $0x80, s0, s20, $0xb8;
	[tilespmem:$0x1E480] =	vst v63  }
0x39: {  	s0 =	smov.u32 s31  }
0x3a: {  	p1 =	sne.s32 s31, $0x4800;
	s31 =	sadd.s32 $0x400, s31;
	_ =	swait.ge [sflag:s23], $0x4000  }
0x3b: {  	s0 =	sshra.s32 s0, $0x2;
	[sflag:s23] =	ssyncset.done $0x0  }
0x3c: {  	s1 =	sadd.s32 $0x1400, s0;
	[sflag:s23] =	ssyncadd.s32 $0xFFFFC000  }
0x3d: {  	[spmem:s2] =	stream.indirect.scatter.add.f32 [tilespmem:s21], [sflag:$0x3], $0x80, s1, s20, $0xb8;
	[tilespmem:$0x1E480] =	vst v63  }
0x3e: {  	_ =	swait.ge [sflag:s24], $0x4000  }
0x3f: {  	[sflag:s24] =	ssyncset.done $0x0  }
0x40: {  	s1 =	sadd.s32 $0x1480, s0;
	[sflag:s24] =	ssyncadd.s32 $0xFFFFC000  }
0x41: {  	[spmem:s2] =	stream.indirect.scatter.add.f32 [tilespmem:s22], [sflag:$0x4], $0x80, s1, s20, $0xb8;
	[tilespmem:$0x1E480] =	vst v63  }
0x42: {  	_ =	swait.ge [sflag:s25], $0x4000  }
0x43: {  	[sflag:s25] =	ssyncset.done $0x0  }
.Ltmp0:
0x44: {  	s1 =	sadd.s32 $0x100, s0;
	[sflag:s25] =	ssyncadd.s32 $0xFFFFC000;
	(pc) =	sbr.rel @p1 .LBB2_2-.Ltmp0, $4  }
0x45: {  	[tilespmem:s21], [sflag:$0x1] =	stream.indirect.gather [hbm4b:s4+s20], $0x80, s1, s20, $0xb8;
	[tilespmem:$0x1E480] =	vst v63  }
0x46: {  	_ =	swait.ge [sflag:s26], $0x4000  }
0x47: {  	[sflag:s26] =	ssyncset.done $0x0  }
0x48: {  	s0 =	sadd.s32 $0x180, s0;
	[sflag:s26] =	ssyncadd.s32 $0xFFFFC000  }
0x49: {  	[tilespmem:s22], [sflag:$0x2] =	stream.indirect.gather [hbm4b:s4+s20], $0x80, s0, s20, $0xb8;
	[tilespmem:$0x1E480] =	vst v63  }
0x4a: {  	_ =	swait.ge [sflag:s23], $0x4000  }
0x4b: {  	[sflag:s23] =	ssyncset.done $0x0  }
0x4c: {  	[sflag:s23] =	ssyncadd.s32 $0xFFFFC000  }
0x4d: {  	[spmem:s2] =	stream.indirect.scatter.add.f32 [tilespmem:s21], [sflag:$0x3], $0x80, s28, s20, $0xb8;
	[tilespmem:$0x1E480] =	vst v63  }
0x4e: {  	_ =	swait.ge [sflag:s24], $0x4000  }
0x4f: {  	[sflag:s24] =	ssyncset.done $0x0  }
0x50: {  	[sflag:s24] =	ssyncadd.s32 $0xFFFFC000  }
0x51: {  	[spmem:s2] =	stream.indirect.scatter.add.f32 [tilespmem:s22], [sflag:$0x4], $0x80, s29, s20, $0xb8;
	[tilespmem:$0x1E480] =	vst v63  }
0x52: {  	_ =	swait.ge [sflag:s25], $0x4000  }
0x53: {  	[sflag:s25] =	ssyncset.done $0x0  }
0x54: {  	[sflag:s25] =	ssyncadd.s32 $0xFFFFC000  }
0x55: {  	_ =	swait.ge [sflag:s26], $0x4000  }
0x56: {  	[sflag:s26] =	ssyncset.done $0x0  }
0x57: {  	s1 =	simm.s32 $0x0;
	[sflag:s26] =	ssyncadd.s32 $0xFFFFC000  }
0x58: {  	[tilespmem:s1], [sflag:$0x6] =	stream.linear.gather [hbm4b:s9+s1], $0x1400, $0x38;
	[tilespmem:$0x1E480] =	vst v63  }
0x59: {  	_ =	swait.ge [sflag:s18], $0x1400  }
0x5a: {  	[sflag:s18] =	ssyncset.done $0x0  }
0x5b: {  	[sflag:s18] =	ssyncadd.s32 $0xFFFFEC00  }
0x5c: {  	[tilespmem:s19], [sflag:$0x6] =	stream.linear.gather [hbm4b:s10+s1], $0x1400, $0x38;
	[tilespmem:$0x1E480] =	vst v63  }
0x5d: {  	_ =	swait.ge [sflag:s18], $0x1400  }
0x5e: {  	[sflag:s18] =	ssyncset.done $0x0  }
0x5f: {  	[sflag:s18] =	ssyncadd.s32 $0xFFFFEC00  }
0x60: {  	[tilespmem:s21], [sflag:$0x1] =	stream.indirect.gather [hbm4b:s4+s20], $0x80, s1, s20, $0xb8;
	[tilespmem:$0x1E480] =	vst v63  }
0x61: {  	_ = 	snop  }
0x62: {  	[tilespmem:s22], [sflag:$0x2] =	stream.indirect.gather [hbm4b:s4+s20], $0x80, s20, s20, $0xb8;
	[tilespmem:$0x1E480] =	vst v63  }
0x63: {  	_ =	swait.ge [sflag:s23], $0x4000  }
0x64: {  	[sflag:s23] =	ssyncset.done $0x0  }
0x65: {  	s1 =	simm.s32 $0x1400;
	[sflag:s23] =	ssyncadd.s32 $0xFFFFC000  }
0x66: {  	[spmem:s2] =	stream.indirect.scatter.add.f32 [tilespmem:s21], [sflag:$0x3], $0x80, s1, s20, $0xb8;
	[tilespmem:$0x1E480] =	vst v63  }
0x67: {  	_ =	swait.ge [sflag:s24], $0x4000  }
0x68: {  	[sflag:s24] =	ssyncset.done $0x0  }
0x69: {  	s1 =	simm.s32 $0x1480;
	[sflag:s24] =	ssyncadd.s32 $0xFFFFC000  }
0x6a: {  	[spmem:s2] =	stream.indirect.scatter.add.f32 [tilespmem:s22], [sflag:$0x4], $0x80, s1, s20, $0xb8;
	[tilespmem:$0x1E480] =	vst v63  }
0x6b: {  	_ =	swait.ge [sflag:s25], $0x4000  }
0x6c: {  	[sflag:s25] =	ssyncset.done $0x0  }
0x6d: {  	s1 =	simm.s32 $0x100;
	[sflag:s25] =	ssyncadd.s32 $0xFFFFC000  }
0x6e: {  	[tilespmem:s21], [sflag:$0x1] =	stream.indirect.gather [hbm4b:s4+s20], $0x80, s1, s20, $0xb8;
	[tilespmem:$0x1E480] =	vst v63  }
0x6f: {  	_ =	swait.ge [sflag:s26], $0x4000  }
0x70: {  	[sflag:s26] =	ssyncset.done $0x0  }
0x71: {  	s31 =	simm.s32 $0x400;
	s0 =	simm.s32 $0x180;
	[sflag:s26] =	ssyncadd.s32 $0xFFFFC000  }
.LBB2_4:
0x72: {  	[tilespmem:s22], [sflag:$0x2] =	stream.indirect.gather [hbm4b:s4+s20], $0x80, s0, s20, $0xb8;
	[tilespmem:$0x1E480] =	vst v63  }
0x73: {  	s0 =	smov.u32 s31  }
0x74: {  	p1 =	sne.s32 s31, $0x4800;
	s31 =	sadd.s32 $0x400, s31;
	_ =	swait.ge [sflag:s23], $0x4000  }
0x75: {  	s0 =	sshra.s32 s0, $0x2;
	[sflag:s23] =	ssyncset.done $0x0  }
0x76: {  	s1 =	sadd.s32 $0x1400, s0;
	[sflag:s23] =	ssyncadd.s32 $0xFFFFC000  }
0x77: {  	[spmem:s2] =	stream.indirect.scatter.add.f32 [tilespmem:s21], [sflag:$0x3], $0x80, s1, s20, $0xb8;
	[tilespmem:$0x1E480] =	vst v63  }
0x78: {  	_ =	swait.ge [sflag:s24], $0x4000  }
0x79: {  	[sflag:s24] =	ssyncset.done $0x0  }
0x7a: {  	s1 =	sadd.s32 $0x1480, s0;
	[sflag:s24] =	ssyncadd.s32 $0xFFFFC000  }
0x7b: {  	[spmem:s2] =	stream.indirect.scatter.add.f32 [tilespmem:s22], [sflag:$0x4], $0x80, s1, s20, $0xb8;
	[tilespmem:$0x1E480] =	vst v63  }
0x7c: {  	_ =	swait.ge [sflag:s25], $0x4000  }
0x7d: {  	[sflag:s25] =	ssyncset.done $0x0  }
.Ltmp1:
0x7e: {  	s1 =	sadd.s32 $0x100, s0;
	[sflag:s25] =	ssyncadd.s32 $0xFFFFC000;
	(pc) =	sbr.rel @p1 .LBB2_4-.Ltmp1, $4  }
0x7f: {  	[tilespmem:s21], [sflag:$0x1] =	stream.indirect.gather [hbm4b:s4+s20], $0x80, s1, s20, $0xb8;
	[tilespmem:$0x1E480] =	vst v63  }
0x80: {  	_ =	swait.ge [sflag:s26], $0x4000  }
0x81: {  	[sflag:s26] =	ssyncset.done $0x0  }
0x82: {  	s0 =	sadd.s32 $0x180, s0;
	[sflag:s26] =	ssyncadd.s32 $0xFFFFC000  }
0x83: {  	[tilespmem:s22], [sflag:$0x2] =	stream.indirect.gather [hbm4b:s4+s20], $0x80, s0, s20, $0xb8;
	[tilespmem:$0x1E480] =	vst v63  }
0x84: {  	_ =	swait.ge [sflag:s23], $0x4000  }
0x85: {  	[sflag:s23] =	ssyncset.done $0x0  }
0x86: {  	[sflag:s23] =	ssyncadd.s32 $0xFFFFC000  }
0x87: {  	[spmem:s2] =	stream.indirect.scatter.add.f32 [tilespmem:s21], [sflag:$0x3], $0x80, s28, s20, $0xb8;
	[tilespmem:$0x1E480] =	vst v63  }
0x88: {  	_ =	swait.ge [sflag:s24], $0x4000  }
0x89: {  	[sflag:s24] =	ssyncset.done $0x0  }
0x8a: {  	[sflag:s24] =	ssyncadd.s32 $0xFFFFC000  }
0x8b: {  	[spmem:s2] =	stream.indirect.scatter.add.f32 [tilespmem:s22], [sflag:$0x4], $0x80, s29, s20, $0xb8;
	[tilespmem:$0x1E480] =	vst v63  }
0x8c: {  	_ =	swait.ge [sflag:s25], $0x4000  }
0x8d: {  	[sflag:s25] =	ssyncset.done $0x0  }
0x8e: {  	[sflag:s25] =	ssyncadd.s32 $0xFFFFC000  }
0x8f: {  	_ =	swait.ge [sflag:s26], $0x4000  }
0x90: {  	[sflag:s26] =	ssyncset.done $0x0  }
0x91: {  	[sflag:s26] =	ssyncadd.s32 $0xFFFFC000  }
0x92: {  	s0 =	simm.s32 @p0 $0x1FC6;
	[bflag:$0x0] =	sbarrier.arrive $0xFFFF  }
0x93: {  	[hbm:s12], [sflag:s0] =	dma.local @p0 [spmem:s15], $0x2080  }
0x94: {  	s0 =	simm.s32 @p0 $0x6  }
0x95: {  	_ =	swait.ge @p0 [sflag:s0], $0x2080  }
0x96: {  	s30 =	sadd.s32 $0x1, s30;
	[sflag:s0] =	ssyncset.done @p0 $0x0  }
0x97: {  	p1 =	sne.s32 s30, s13;
	[sflag:s0] =	ssyncadd.s32 @p0 $0xFFFFDF80;
	s0 =	sor.u32 @!p0 $0x1C06, s14  }
0x98: {  	[hbm:s11], [sflag:s0] =	dma.local @!p0 [spmem:s17], $0x2780  }
.Ltmp2:
0x99: {  	_ = 	snop;
	(pc) =	sbr.rel @p1 .LBB2_1-.Ltmp2, $4  }
0x9a: {  	s0 =	simm.s32 @!p0 $0x6  }
0x9b: {  	_ =	swait.ge @!p0 [sflag:s0], $0x2780  }
0x9c: {  	[sflag:s0] =	ssyncset.done @!p0 $0x0  }
0x9d: {  	[sflag:s0] =	ssyncadd.s32 @!p0 $0xFFFFD880  }
0x9e: {  	_ =	sfence.sel $0x180000  }
0x9f: {  	[bflag:$0x0] =	sbarrier.arrive $0xFFFF  }
0xa0: {  	_ =	strace $0x9000004A  }
0xa1: {  	s0 =	stileid.u32;
	[bflag:$0x2] =	sbarrier.arrive $0xFFFF  }
0xa2: {  	p0 =	sne.s32 s0, $0x0;
	s0 =	rddreg [dreg:$0x2]  }
0xa3: {  	s0 =	sadd.s32 @!p0 $0x100000, s0  }
0xa4: {  	[sflag:s0] =	ssyncadd.tile.s32 @!p0 $0x1;
	_ =	shalt  }
.Lfunc_end2:
_tile_overlayer_lowered:
.L_overlay_start_2:
0xa5: {  	(tag) =	ssettag $0x2  }
0xa6: {  	s0 =	rddreg [dreg:$0x0];
	s2 =	stileid.u32  }
0xa7: {  	s1 =	rddreg [dreg:$0x1];
	p0 =	sne.s32 s2, $0x0  }
0xa8: {  	s3 =	rddreg [dreg:$0x2];
	[bflag:$0x3] =	sbarrier.arrive $0xFFFF;
	s2 =	simm.s32 @!p0 $0x1C06  }
0xa9: {  	[timem:s3], [sflag:s2] =	dma.local @!p0 [hbm:s0], s1  }
0xaa: {  	s0 =	simm.s32 @!p0 $0x6  }
0xab: {  	_ =	swait.ge @!p0 [sflag:s0], s1  }
0xac: {  	s1 =	ssub.s32 @!p0 $0x0, s1;
	[sflag:s0] =	ssyncset.done @!p0 $0x0  }
0xad: {  	[sflag:s0] =	ssyncadd.s32 @!p0 s1  }
0xae: {  	[bflag:$0x3] =	sbarrier.arrive $0xFFFF  }
0xaf: {  	_ =	shalt  }

</sc_bundles>
